<compile_context>
chip_gen: v7x
topology: tpu7x:2x2x1
jax: 0.10.2.dev20260603
libtpu: 0.0.44.dev20260713+nightly
codegen_flags: <defaults>
</compile_context>

<pallas_src>
import jax
import jax.numpy as jnp
from jax import lax
from jax.experimental import pallas as pl
from jax.experimental.pallas import tpu as pltpu
from jax.experimental.pallas import tpu_sc as plsc

_LOG2PI = 1.8378770664093453
_NSC = [0, 0, 3, 1, 2, 1, 0, 2, 2, 2, 1, 1, 1, 2, 5, 4, 2, 3, 3, 2]

_B, _CH, _R, _NA, _ANG = 64, 2, 1024, 2, 8
_NBC = _B * _CH
_NRES = _NBC * _R
_NATOM = _NRES * 8
_NW = 32
_BC_W = _NBC // _NW
_ANG_BC = _NA * 8 * 8 * 128
_OUT_BC = 8 * _NA * 128


def _sc_body(ang_hbm, desc_hbm, alt_hbm, tab_hbm, obb_hbm, orot_hbm,
             ang_v, res_v, alt_v, tab_v, obb_v, orot_v):
    wid = lax.axis_index("s") * 2 + lax.axis_index("c")
    pltpu.sync_copy(tab_hbm, tab_v)
    iota = lax.iota(jnp.int32, 16)
    sbb = plsc.load_gather(tab_v, [jnp.full((16,), 96, jnp.int32)])
    som = plsc.load_gather(tab_v, [jnp.full((16,), 97, jnp.int32)])
    zero = jnp.zeros((16,), jnp.float32)

    def bc_body(k, carry):
        bc = wid * _BC_W + k
        pltpu.sync_copy(ang_hbm.at[pl.ds(bc * _ANG_BC, _ANG_BC)], ang_v)
        pltpu.sync_copy(desc_hbm.at[3, pl.ds(bc * 8192, 8192)], res_v)
        pltpu.sync_copy(alt_hbm.at[0, pl.ds(bc * 64, 64)], alt_v.at[0])
        pltpu.sync_copy(alt_hbm.at[1, pl.ds(bc * 64, 64)], alt_v.at[1])

        for alt in range(_NA):
            alt_c = jnp.full((16,), alt, jnp.int32)

            def grp(t, c2, alt=alt, alt_c=alt_c):
                rb = t >> 3
                g = t & 7
                res_b = rb * 128 + g * 16
                atom = (res_b + iota) * 8 + 1
                a_ofs = ((alt * 8 + rb) * 8) * 128 + g * 16
                a = [ang_v[pl.ds(a_ofs + c * 128, 16)] for c in range(8)]
                resn = plsc.load_gather(res_v, [atom])
                selw = plsc.load_gather(alt_v, [alt_c, atom >> 7, atom & 127])
                ridx = jnp.clip(resn, 0, 31)
                nscf = plsc.load_gather(tab_v, [ridx])
                offs = plsc.load_gather(tab_v, [ridx + 32])
                scl = plsc.load_gather(tab_v, [ridx + 64])
                keep = ((selw != 0) & (resn >= 0) & (resn < 20)
                        & (a[0] != 999.0) & (a[1] != 999.0))
                kde2 = -0.5 * (a[0] * a[0] + a[1] * a[1]) - _LOG2PI
                bbp = jnp.minimum(kde2 * sbb, 5.0)
                om = (-0.5 * (a[2] * a[2]) - 0.5 * _LOG2PI) * som
                bbs = jnp.clip(-0.5 * (bbp + om), 0.0, 5.0)
                c1 = a[3] * a[3]
                cs2 = c1 + a[4] * a[4]
                cs3 = cs2 + a[5] * a[5]
                cs4 = cs3 + a[6] * a[6]
                cs5 = cs4 + a[7] * a[7]
                cs = jnp.where(nscf == 1.0, c1, zero)
                cs = jnp.where(nscf == 2.0, cs2, cs)
                cs = jnp.where(nscf == 3.0, cs3, cs)
                cs = jnp.where(nscf == 4.0, cs4, cs)
                cs = jnp.where(nscf == 5.0, cs5, cs)
                scp = jnp.minimum((-0.5 * cs + offs) * scl, 5.0)
                rot = jnp.clip(-0.5 * scp, 0.0, 5.0)
                o_ofs = (rb * _NA + alt) * 128 + g * 16
                obb_v[pl.ds(o_ofs, 16)] = jnp.where(keep, bbs, zero)
                orot_v[pl.ds(o_ofs, 16)] = jnp.where(keep & (nscf > 0.0),
                                                     rot, zero)
                return c2
            lax.fori_loop(0, 64, grp, 0)
        pltpu.sync_copy(obb_v, obb_hbm.at[pl.ds(bc * _OUT_BC, _OUT_BC)])
        pltpu.sync_copy(orot_v, orot_hbm.at[pl.ds(bc * _OUT_BC, _OUT_BC)])
        return carry
    lax.fori_loop(0, _BC_W, bc_body, 0)


def kernel(atom_description, angles, alternatives, weightBB, weightOmega, weightSC):
    ang_lin = (angles.reshape(_B, _CH, 8, 128, _NA, _ANG)
               .transpose(0, 1, 4, 2, 5, 3).reshape(-1))
    desc_t = atom_description.astype(jnp.int32).transpose(1, 0)
    altw = (alternatives.transpose(1, 0)
            .reshape(_NA, _NATOM // 128, 128).astype(jnp.int32))

    nscf = jnp.asarray(_NSC + [0] * 12, jnp.float32)
    offs = jnp.float32(-0.5 * _LOG2PI) * nscf
    scl = jnp.concatenate(
        [1.0 - jnp.tanh(-weightSC.astype(jnp.float32)),
         jnp.ones((12,), jnp.float32)])
    sbb = (1.0 - jnp.tanh(-weightBB.astype(jnp.float32))).reshape(1)
    som = (1.0 - jnp.tanh(-weightOmega.astype(jnp.float32))).reshape(1)
    tab = jnp.concatenate(
        [nscf, offs, scl, sbb, som, jnp.zeros((30,), jnp.float32)])

    n_out = _NBC * _OUT_BC
    run = pl.kernel(
        _sc_body,
        out_type=(jax.ShapeDtypeStruct((n_out,), jnp.float32),
                  jax.ShapeDtypeStruct((n_out,), jnp.float32)),
        mesh=plsc.VectorSubcoreMesh(core_axis_name="c", subcore_axis_name="s",
                                    num_cores=2, num_subcores=16),
        compiler_params=pltpu.CompilerParams(needs_layout_passes=False),
        scratch_types=[
            pltpu.VMEM((_ANG_BC,), jnp.float32),
            pltpu.VMEM((8192,), jnp.int32),
            pltpu.VMEM((_NA, 64, 128), jnp.int32),
            pltpu.VMEM((128,), jnp.float32),
            pltpu.VMEM((_OUT_BC,), jnp.float32),
            pltpu.VMEM((_OUT_BC,), jnp.float32),
        ],
    )
    bb, rot = run(ang_lin, desc_t, altw, tab)
    bb = (bb.reshape(_B, _CH, 8, _NA, 128).transpose(0, 1, 2, 4, 3)
          .reshape(_B, _CH, _R, _NA))
    rot = (rot.reshape(_B, _CH, 8, _NA, 128).transpose(0, 1, 2, 4, 3)
           .reshape(_B, _CH, _R, _NA))
    return bb, rot

# --- scband reference (transcript-rebuilt; emitter-appended) ---
"""Pipeline reference for scband-angle-scorer-31095563223805 (READ-ONLY COPY).

The authoritative reference and input builder live on the scoring server;
editing this copy changes nothing except your own understanding.
"""

import jax, jax.numpy as jnp
import numpy as np

PADDING_INDEX = 999
ANGLES_OF_RES = {0: [], 1: [], 2: [3, 4, 5], 3: [3], 4: [3, 4], 5: [3], 6: [], 7: [3, 4], 8: [3, 4], 9: [3, 4], 10: [3], 11: [3], 12: [3], 13: [3, 4], 14: [3, 4, 5, 6, 7], 15: [3, 4, 5, 6], 16: [3, 4], 17: [3, 4, 5], 18: [3, 4, 5], 19: [3, 4]}
CA_HASH = 1
COL_BATCH, COL_CHAIN, COL_RESNUM, COL_RESNAME, COL_ATNAME = 0, 1, 2, 3, 4


def _kde_log_prob(x):
    # surrogate for the pretrained realNVP KDE: standard-normal log density
    d = x.shape[-1]
    return -0.5 * jnp.sum(x * x, axis=-1) - 0.5 * d * jnp.log(2.0 * jnp.pi)


def setup_inputs():
    B, CH, R, NALT, APR = 64, 2, 1024, 2, 8
    n_res = B * CH * R
    N = n_res * APR
    rng = np.random.default_rng(0)
    b = np.repeat(np.arange(B), CH * R * APR)
    c = np.tile(np.repeat(np.arange(CH), R * APR), B)
    r = np.tile(np.repeat(np.arange(R), APR), B * CH)
    resname = rng.integers(0, 20, size=n_res)
    resname_atoms = np.repeat(resname, APR)
    atname = np.tile(np.arange(APR), n_res)  # at_name==1 is the CA atom
    atom_description = np.stack([b, c, r, resname_atoms, atname], axis=1).astype(np.int64)
    angles = rng.uniform(-np.pi, np.pi, size=(B, CH, R, NALT, 8)).astype(np.float32)
    miss = rng.random((B, CH, R, NALT, 8)) < 0.05
    angles = np.where(miss, np.float32(PADDING_INDEX), angles).astype(np.float32)
    alternatives = rng.random((N, NALT)) < 0.9
    return {
        'atom_description': jnp.asarray(atom_description),
        'angles': jnp.asarray(angles),
        'alternatives': jnp.asarray(alternatives),
        'weightBB': jnp.zeros((1,), jnp.float32),
        'weightOmega': jnp.zeros((1,), jnp.float32),
        'weightSC': jnp.zeros((20,), jnp.float32),
    }


def reference(atom_description, angles, alternatives, weightBB, weightOmega, weightSC):
    beta = 0.5
    at = atom_description[:, COL_ATNAME]
    seq = atom_description[:, COL_RESNAME]
    batch_ind = atom_description[:, COL_BATCH]
    chain_ind = atom_description[:, COL_CHAIN]
    resnum = atom_description[:, COL_RESNUM]
    naltern = alternatives.shape[-1]
    ca_mask = at == CA_HASH
    padding_mask = seq != PADDING_INDEX
    batch = angles.shape[0]
    chainMax = angles.shape[1]
    resMax = angles.shape[2]
    grid = (batch, chainMax, resMax, naltern)
    seqalt = jnp.full(grid, PADDING_INDEX, dtype=jnp.int32)
    bbScore = jnp.zeros(grid, dtype=jnp.float32)
    rotamerViolation = jnp.zeros(grid, dtype=jnp.float32)
    for alt in range(naltern):
        m = alternatives[:, alt] & ca_mask & padding_mask
        bb = jnp.where(m, batch_ind, batch)
        seqalt = seqalt.at[bb, chain_ind, resnum, alt].set(seq.astype(jnp.int32), mode='drop')
    bb_present = ~((angles[..., :2] == PADDING_INDEX).sum(-1).astype(bool))
    bbProbAll = jnp.minimum(_kde_log_prob(angles[..., :2]) * (1.0 - jnp.tanh(-weightBB)), 5.0)
    omegaProbAll = _kde_log_prob(angles[..., 2:3]) * (1.0 - jnp.tanh(-weightOmega))
    for j in range(20):
        keep = (seqalt == j) & bb_present
        sc = ANGLES_OF_RES[j]
        if len(sc) > 0:
            # NOTE: original torch code indexes inpBB (not inpSC) here; kept faithful
            scProb = jnp.minimum(_kde_log_prob(angles[..., jnp.array(sc)]) * (1.0 - jnp.tanh(-weightSC[j])), 5.0)
            rotamerViolation = jnp.where(keep, jnp.clip(-beta * scProb, 0.0, 5.0), rotamerViolation)
        bbScore = jnp.where(keep, jnp.clip(-beta * (bbProbAll + omegaProbAll), 0.0, 5.0), bbScore)
    return (bbScore, rotamerViolation)

if __name__ == "__main__":
    import jax
    _d = setup_inputs()
    print(jax.jit(kernel)(*tuple(_d.values())))

</pallas_src>

<mosaic_0001>
#map = affine_map<(d0, d1) -> (0)>
#map1 = affine_map<(d0, d1) -> (0, 0)>
#map2 = affine_map<(d0, d1) -> (0, 0, 0)>
module attributes {stable_mosaic.version = 14 : i64} {
  func.func @_sc_body(%arg0: i32, %arg1: i32, %arg2: memref<2097152xf32, #tpu.memory_space<hbm>>, %arg3: memref<5x1048576xi32, #tpu.memory_space<hbm>>, %arg4: memref<2x8192x128xi32, #tpu.memory_space<hbm>>, %arg5: memref<128xf32, #tpu.memory_space<hbm>>, %arg6: memref<262144xf32, #tpu.memory_space<hbm>>, %arg7: memref<262144xf32, #tpu.memory_space<hbm>>, %arg8: memref<16384xf32, #tpu.memory_space<vmem>>, %arg9: memref<8192xi32, #tpu.memory_space<vmem>>, %arg10: memref<2x64x128xi32, #tpu.memory_space<vmem>>, %arg11: memref<128xf32, #tpu.memory_space<vmem>>, %arg12: memref<2048xf32, #tpu.memory_space<vmem>>, %arg13: memref<2048xf32, #tpu.memory_space<vmem>>) attributes {dimension_semantics = [#tpu.dimension_semantics<core_parallel>, #tpu.dimension_semantics<subcore_parallel>], iteration_bounds = array<i64: 2, 16>, scalar_prefetch = 0 : i64, scratch_operands = 6 : i64, tpu.core_type = #tpu.core_type<sc_vector_subcore>, window_params = [{transform_indices = #map}, {transform_indices = #map1}, {transform_indices = #map2}, {transform_indices = #map}, {transform_indices = #map}, {transform_indices = #map}]} {
    %mul3A = arith.constant 2 : i32
    %mul3A_0 = arith.muli %arg1, %mul3A : i32
    %add3A = arith.addi %mul3A_0, %arg0 : i32
    "tpu.region"() ({
      %run_scoped3A = tpu.sem_alloc : memref<!tpu.dma_semaphore, #tpu.memory_space<semaphore_mem>>
      tpu.enqueue_dma source(%arg5 : memref<128xf32, #tpu.memory_space<hbm>>) target(%arg11 : memref<128xf32, #tpu.memory_space<vmem>>) target_semaphore(%run_scoped3A : memref<!tpu.dma_semaphore, #tpu.memory_space<semaphore_mem>>)
      tpu.wait_dma2 semaphore(%run_scoped3A : memref<!tpu.dma_semaphore, #tpu.memory_space<semaphore_mem>>) src(%arg5 : memref<128xf32, #tpu.memory_space<hbm>>) dst(%arg11 : memref<128xf32, #tpu.memory_space<vmem>>)
      tpu.yield
    }) : () -> ()
    %iota3A = tpu.iota {dimensions = array<i32: 0>} : vector<16xi32>
    %broadcast_in_dim3A = arith.constant 96 : i32
    %broadcast_in_dim3A_1 = vector.broadcast %broadcast_in_dim3A : i32 to vector<16xi32>
    %gather3A = tpu.vector_load_idx %arg11[%broadcast_in_dim3A_1] : memref<128xf32, #tpu.memory_space<vmem>>[vector<16xi32>], vector<16xf32>,
    %broadcast_in_dim3A_2 = arith.constant 97 : i32
    %broadcast_in_dim3A_3 = vector.broadcast %broadcast_in_dim3A_2 : i32 to vector<16xi32>
    %gather3A_4 = tpu.vector_load_idx %arg11[%broadcast_in_dim3A_3] : memref<128xf32, #tpu.memory_space<vmem>>[vector<16xi32>], vector<16xf32>,
    %broadcast_in_dim3A_5 = arith.constant 0.000000e+00 : f32
    %broadcast_in_dim3A_6 = vector.broadcast %broadcast_in_dim3A_5 : f32 to vector<16xf32>
    %scan3A = arith.constant 0 : i32
    %scan3A_7 = arith.constant 0 : i32
    %scan3A_8 = arith.constant 4 : i32
    %scan3A_9 = arith.addi %scan3A_7, %scan3A_8 : i32
    %scan3A_10 = arith.constant 1 : i32
    scf.for %scan3A_12 = %scan3A_7 to %scan3A_9 step %scan3A_10  : i32 {
      %mul3A_13 = arith.constant 4 : i32
      %mul3A_14 = arith.muli %add3A, %mul3A_13 : i32
      %add3A_15 = arith.addi %mul3A_14, %scan3A_12 : i32
      %mul3A_16 = arith.constant 16384 : i32
      %mul3A_17 = arith.muli %add3A_15, %mul3A_16 : i32
      "tpu.region"() ({
        %run_scoped3A_48 = tpu.sem_alloc : memref<!tpu.dma_semaphore, #tpu.memory_space<semaphore_mem>>
        %dma_start3A = tpu.memref_slice %arg2[%mul3A_17] : memref<2097152xf32, #tpu.memory_space<hbm>> -> memref<16384xf32, #tpu.memory_space<hbm>>
        %dma_start3A_49 = tpu.memref_slice %arg2[%mul3A_17] : memref<2097152xf32, #tpu.memory_space<hbm>> -> memref<16384xf32, #tpu.memory_space<hbm>>
        tpu.enqueue_dma source(%dma_start3A_49 : memref<16384xf32, #tpu.memory_space<hbm>>) target(%arg8 : memref<16384xf32, #tpu.memory_space<vmem>>) target_semaphore(%run_scoped3A_48 : memref<!tpu.dma_semaphore, #tpu.memory_space<semaphore_mem>>)
        %dma_wait3A = tpu.memref_slice %arg2[%mul3A_17] : memref<2097152xf32, #tpu.memory_space<hbm>> -> memref<16384xf32, #tpu.memory_space<hbm>>
        %dma_wait3A_50 = tpu.memref_slice %arg2[%mul3A_17] : memref<2097152xf32, #tpu.memory_space<hbm>> -> memref<16384xf32, #tpu.memory_space<hbm>>
        tpu.wait_dma2 semaphore(%run_scoped3A_48 : memref<!tpu.dma_semaphore, #tpu.memory_space<semaphore_mem>>) src(%dma_wait3A_50 : memref<16384xf32, #tpu.memory_space<hbm>>) dst(%arg8 : memref<16384xf32, #tpu.memory_space<vmem>>)
        tpu.yield
      }) : () -> ()
      %mul3A_18 = arith.constant 8192 : i32
      %mul3A_19 = arith.muli %add3A_15, %mul3A_18 : i32
      %run_scoped3A = arith.constant 3 : i32
      "tpu.region"() ({
        %run_scoped3A_48 = tpu.sem_alloc : memref<!tpu.dma_semaphore, #tpu.memory_space<semaphore_mem>>
        %dma_start3A = tpu.memref_slice %arg3[%run_scoped3A, %mul3A_19] : memref<5x1048576xi32, #tpu.memory_space<hbm>> -> memref<1x8192xi32, #tpu.memory_space<hbm>>
        %dma_start3A_49 = tpu.memref_squeeze %dma_start3A : memref<1x8192xi32, #tpu.memory_space<hbm>> -> memref<8192xi32, #tpu.memory_space<hbm>>
        %dma_start3A_50 = tpu.memref_slice %arg3[%run_scoped3A, %mul3A_19] : memref<5x1048576xi32, #tpu.memory_space<hbm>> -> memref<1x8192xi32, #tpu.memory_space<hbm>>
        %dma_start3A_51 = tpu.memref_squeeze %dma_start3A_50 : memref<1x8192xi32, #tpu.memory_space<hbm>> -> memref<8192xi32, #tpu.memory_space<hbm>>
        tpu.enqueue_dma source(%dma_start3A_51 : memref<8192xi32, #tpu.memory_space<hbm>>) target(%arg9 : memref<8192xi32, #tpu.memory_space<vmem>>) target_semaphore(%run_scoped3A_48 : memref<!tpu.dma_semaphore, #tpu.memory_space<semaphore_mem>>)
        %dma_wait3A = tpu.memref_slice %arg3[%run_scoped3A, %mul3A_19] : memref<5x1048576xi32, #tpu.memory_space<hbm>> -> memref<1x8192xi32, #tpu.memory_space<hbm>>
        %dma_wait3A_52 = tpu.memref_squeeze %dma_wait3A : memref<1x8192xi32, #tpu.memory_space<hbm>> -> memref<8192xi32, #tpu.memory_space<hbm>>
        %dma_wait3A_53 = tpu.memref_slice %arg3[%run_scoped3A, %mul3A_19] : memref<5x1048576xi32, #tpu.memory_space<hbm>> -> memref<1x8192xi32, #tpu.memory_space<hbm>>
        %dma_wait3A_54 = tpu.memref_squeeze %dma_wait3A_53 : memref<1x8192xi32, #tpu.memory_space<hbm>> -> memref<8192xi32, #tpu.memory_space<hbm>>
        tpu.wait_dma2 semaphore(%run_scoped3A_48 : memref<!tpu.dma_semaphore, #tpu.memory_space<semaphore_mem>>) src(%dma_wait3A_54 : memref<8192xi32, #tpu.memory_space<hbm>>) dst(%arg9 : memref<8192xi32, #tpu.memory_space<vmem>>)
        tpu.yield
      }) : () -> ()
      %mul3A_20 = arith.constant 64 : i32
      %mul3A_21 = arith.muli %add3A_15, %mul3A_20 : i32
      %run_scoped3A_22 = arith.constant 0 : i32
      %run_scoped3A_23 = arith.constant 0 : i32
      "tpu.region"() ({
        %run_scoped3A_48 = tpu.sem_alloc : memref<!tpu.dma_semaphore, #tpu.memory_space<semaphore_mem>>
        %dma_start3A = arith.constant 0 : i32
        %dma_start3A_49 = arith.constant 0 : i32
        %dma_start3A_50 = tpu.memref_slice %arg10[%run_scoped3A_23, %dma_start3A, %dma_start3A_49] : memref<2x64x128xi32, #tpu.memory_space<vmem>> -> memref<1x64x128xi32, #tpu.memory_space<vmem>>
        %dma_start3A_51 = tpu.memref_squeeze %dma_start3A_50 : memref<1x64x128xi32, #tpu.memory_space<vmem>> -> memref<64x128xi32, #tpu.memory_space<vmem>>
        %dma_start3A_52 = arith.constant 0 : i32
        %dma_start3A_53 = tpu.memref_slice %arg4[%run_scoped3A_22, %mul3A_21, %dma_start3A_52] : memref<2x8192x128xi32, #tpu.memory_space<hbm>> -> memref<1x64x128xi32, #tpu.memory_space<hbm>>
        %dma_start3A_54 = tpu.memref_squeeze %dma_start3A_53 : memref<1x64x128xi32, #tpu.memory_space<hbm>> -> memref<64x128xi32, #tpu.memory_space<hbm>>
        %dma_start3A_55 = arith.constant 0 : i32
        %dma_start3A_56 = arith.constant 0 : i32
        %dma_start3A_57 = tpu.memref_slice %arg10[%run_scoped3A_23, %dma_start3A_55, %dma_start3A_56] : memref<2x64x128xi32, #tpu.memory_space<vmem>> -> memref<1x64x128xi32, #tpu.memory_space<vmem>>
        %dma_start3A_58 = tpu.memref_squeeze %dma_start3A_57 : memref<1x64x128xi32, #tpu.memory_space<vmem>> -> memref<64x128xi32, #tpu.memory_space<vmem>>
        %dma_start3A_59 = arith.constant 0 : i32
        %dma_start3A_60 = tpu.memref_slice %arg4[%run_scoped3A_22, %mul3A_21, %dma_start3A_59] : memref<2x8192x128xi32, #tpu.memory_space<hbm>> -> memref<1x64x128xi32, #tpu.memory_space<hbm>>
        %dma_start3A_61 = tpu.memref_squeeze %dma_start3A_60 : memref<1x64x128xi32, #tpu.memory_space<hbm>> -> memref<64x128xi32, #tpu.memory_space<hbm>>
        tpu.enqueue_dma source(%dma_start3A_61 : memref<64x128xi32, #tpu.memory_space<hbm>>) target(%dma_start3A_58 : memref<64x128xi32, #tpu.memory_space<vmem>>) target_semaphore(%run_scoped3A_48 : memref<!tpu.dma_semaphore, #tpu.memory_space<semaphore_mem>>)
        %dma_wait3A = arith.constant 0 : i32
        %dma_wait3A_62 = arith.constant 0 : i32
        %dma_wait3A_63 = tpu.memref_slice %arg10[%run_scoped3A_23, %dma_wait3A, %dma_wait3A_62] : memref<2x64x128xi32, #tpu.memory_space<vmem>> -> memref<1x64x128xi32, #tpu.memory_space<vmem>>
        %dma_wait3A_64 = tpu.memref_squeeze %dma_wait3A_63 : memref<1x64x128xi32, #tpu.memory_space<vmem>> -> memref<64x128xi32, #tpu.memory_space<vmem>>
        %dma_wait3A_65 = arith.constant 0 : i32
        %dma_wait3A_66 = tpu.memref_slice %arg4[%run_scoped3A_22, %mul3A_21, %dma_wait3A_65] : memref<2x8192x128xi32, #tpu.memory_space<hbm>> -> memref<1x64x128xi32, #tpu.memory_space<hbm>>
        %dma_wait3A_67 = tpu.memref_squeeze %dma_wait3A_66 : memref<1x64x128xi32, #tpu.memory_space<hbm>> -> memref<64x128xi32, #tpu.memory_space<hbm>>
        %dma_wait3A_68 = arith.constant 0 : i32
        %dma_wait3A_69 = arith.constant 0 : i32
        %dma_wait3A_70 = tpu.memref_slice %arg10[%run_scoped3A_23, %dma_wait3A_68, %dma_wait3A_69] : memref<2x64x128xi32, #tpu.memory_space<vmem>> -> memref<1x64x128xi32, #tpu.memory_space<vmem>>
        %dma_wait3A_71 = tpu.memref_squeeze %dma_wait3A_70 : memref<1x64x128xi32, #tpu.memory_space<vmem>> -> memref<64x128xi32, #tpu.memory_space<vmem>>
        %dma_wait3A_72 = arith.constant 0 : i32
        %dma_wait3A_73 = tpu.memref_slice %arg4[%run_scoped3A_22, %mul3A_21, %dma_wait3A_72] : memref<2x8192x128xi32, #tpu.memory_space<hbm>> -> memref<1x64x128xi32, #tpu.memory_space<hbm>>
        %dma_wait3A_74 = tpu.memref_squeeze %dma_wait3A_73 : memref<1x64x128xi32, #tpu.memory_space<hbm>> -> memref<64x128xi32, #tpu.memory_space<hbm>>
        tpu.wait_dma2 semaphore(%run_scoped3A_48 : memref<!tpu.dma_semaphore, #tpu.memory_space<semaphore_mem>>) src(%dma_wait3A_74 : memref<64x128xi32, #tpu.memory_space<hbm>>) dst(%dma_wait3A_71 : memref<64x128xi32, #tpu.memory_space<vmem>>)
        tpu.yield
      }) : () -> ()
      %mul3A_24 = arith.constant 64 : i32
      %mul3A_25 = arith.muli %add3A_15, %mul3A_24 : i32
      %run_scoped3A_26 = arith.constant 1 : i32
      %run_scoped3A_27 = arith.constant 1 : i32
      "tpu.region"() ({
        %run_scoped3A_48 = tpu.sem_alloc : memref<!tpu.dma_semaphore, #tpu.memory_space<semaphore_mem>>
        %dma_start3A = arith.constant 0 : i32
        %dma_start3A_49 = arith.constant 0 : i32
        %dma_start3A_50 = tpu.memref_slice %arg10[%run_scoped3A_27, %dma_start3A, %dma_start3A_49] : memref<2x64x128xi32, #tpu.memory_space<vmem>> -> memref<1x64x128xi32, #tpu.memory_space<vmem>>
        %dma_start3A_51 = tpu.memref_squeeze %dma_start3A_50 : memref<1x64x128xi32, #tpu.memory_space<vmem>> -> memref<64x128xi32, #tpu.memory_space<vmem>>
        %dma_start3A_52 = arith.constant 0 : i32
        %dma_start3A_53 = tpu.memref_slice %arg4[%run_scoped3A_26, %mul3A_25, %dma_start3A_52] : memref<2x8192x128xi32, #tpu.memory_space<hbm>> -> memref<1x64x128xi32, #tpu.memory_space<hbm>>
        %dma_start3A_54 = tpu.memref_squeeze %dma_start3A_53 : memref<1x64x128xi32, #tpu.memory_space<hbm>> -> memref<64x128xi32, #tpu.memory_space<hbm>>
        %dma_start3A_55 = arith.constant 0 : i32
        %dma_start3A_56 = arith.constant 0 : i32
        %dma_start3A_57 = tpu.memref_slice %arg10[%run_scoped3A_27, %dma_start3A_55, %dma_start3A_56] : memref<2x64x128xi32, #tpu.memory_space<vmem>> -> memref<1x64x128xi32, #tpu.memory_space<vmem>>
        %dma_start3A_58 = tpu.memref_squeeze %dma_start3A_57 : memref<1x64x128xi32, #tpu.memory_space<vmem>> -> memref<64x128xi32, #tpu.memory_space<vmem>>
        %dma_start3A_59 = arith.constant 0 : i32
        %dma_start3A_60 = tpu.memref_slice %arg4[%run_scoped3A_26, %mul3A_25, %dma_start3A_59] : memref<2x8192x128xi32, #tpu.memory_space<hbm>> -> memref<1x64x128xi32, #tpu.memory_space<hbm>>
        %dma_start3A_61 = tpu.memref_squeeze %dma_start3A_60 : memref<1x64x128xi32, #tpu.memory_space<hbm>> -> memref<64x128xi32, #tpu.memory_space<hbm>>
        tpu.enqueue_dma source(%dma_start3A_61 : memref<64x128xi32, #tpu.memory_space<hbm>>) target(%dma_start3A_58 : memref<64x128xi32, #tpu.memory_space<vmem>>) target_semaphore(%run_scoped3A_48 : memref<!tpu.dma_semaphore, #tpu.memory_space<semaphore_mem>>)
        %dma_wait3A = arith.constant 0 : i32
        %dma_wait3A_62 = arith.constant 0 : i32
        %dma_wait3A_63 = tpu.memref_slice %arg10[%run_scoped3A_27, %dma_wait3A, %dma_wait3A_62] : memref<2x64x128xi32, #tpu.memory_space<vmem>> -> memref<1x64x128xi32, #tpu.memory_space<vmem>>
        %dma_wait3A_64 = tpu.memref_squeeze %dma_wait3A_63 : memref<1x64x128xi32, #tpu.memory_space<vmem>> -> memref<64x128xi32, #tpu.memory_space<vmem>>
        %dma_wait3A_65 = arith.constant 0 : i32
        %dma_wait3A_66 = tpu.memref_slice %arg4[%run_scoped3A_26, %mul3A_25, %dma_wait3A_65] : memref<2x8192x128xi32, #tpu.memory_space<hbm>> -> memref<1x64x128xi32, #tpu.memory_space<hbm>>
        %dma_wait3A_67 = tpu.memref_squeeze %dma_wait3A_66 : memref<1x64x128xi32, #tpu.memory_space<hbm>> -> memref<64x128xi32, #tpu.memory_space<hbm>>
        %dma_wait3A_68 = arith.constant 0 : i32
        %dma_wait3A_69 = arith.constant 0 : i32
        %dma_wait3A_70 = tpu.memref_slice %arg10[%run_scoped3A_27, %dma_wait3A_68, %dma_wait3A_69] : memref<2x64x128xi32, #tpu.memory_space<vmem>> -> memref<1x64x128xi32, #tpu.memory_space<vmem>>
        %dma_wait3A_71 = tpu.memref_squeeze %dma_wait3A_70 : memref<1x64x128xi32, #tpu.memory_space<vmem>> -> memref<64x128xi32, #tpu.memory_space<vmem>>
        %dma_wait3A_72 = arith.constant 0 : i32
        %dma_wait3A_73 = tpu.memref_slice %arg4[%run_scoped3A_26, %mul3A_25, %dma_wait3A_72] : memref<2x8192x128xi32, #tpu.memory_space<hbm>> -> memref<1x64x128xi32, #tpu.memory_space<hbm>>
        %dma_wait3A_74 = tpu.memref_squeeze %dma_wait3A_73 : memref<1x64x128xi32, #tpu.memory_space<hbm>> -> memref<64x128xi32, #tpu.memory_space<hbm>>
        tpu.wait_dma2 semaphore(%run_scoped3A_48 : memref<!tpu.dma_semaphore, #tpu.memory_space<semaphore_mem>>) src(%dma_wait3A_74 : memref<64x128xi32, #tpu.memory_space<hbm>>) dst(%dma_wait3A_71 : memref<64x128xi32, #tpu.memory_space<vmem>>)
        tpu.yield
      }) : () -> ()
      %broadcast_in_dim3A_28 = arith.constant 0 : i32
      %broadcast_in_dim3A_29 = vector.broadcast %broadcast_in_dim3A_28 : i32 to vector<16xi32>
      %scan3A_30 = arith.constant 0 : i32
      %scan3A_31 = arith.constant 0 : i32
      %scan3A_32 = arith.constant 64 : i32
      %scan3A_33 = arith.addi %scan3A_31, %scan3A_32 : i32
      %scan3A_34 = arith.constant 1 : i32
      scf.for %scan3A_48 = %scan3A_31 to %scan3A_33 step %scan3A_34  : i32 {
        %shift_right_arithmetic3A = arith.constant 3 : i32
        %shift_right_arithmetic3A_49 = arith.shrsi %scan3A_48, %shift_right_arithmetic3A : i32
        %and3A = arith.constant 7 : i32
        %and3A_50 = arith.andi %scan3A_48, %and3A : i32
        %mul3A_51 = arith.constant 128 : i32
        %mul3A_52 = arith.muli %shift_right_arithmetic3A_49, %mul3A_51 : i32
        %mul3A_53 = arith.constant 16 : i32
        %mul3A_54 = arith.muli %and3A_50, %mul3A_53 : i32
        %add3A_55 = arith.addi %mul3A_52, %mul3A_54 : i32
        %add3A_56 = vector.broadcast %add3A_55 : i32 to vector<16xi32>
        %add3A_57 = arith.addi %add3A_56, %iota3A : vector<16xi32>
        %mul3A_58 = arith.constant 8 : i32
        %mul3A_59 = vector.broadcast %mul3A_58 : i32 to vector<16xi32>
        %mul3A_60 = arith.muli %add3A_57, %mul3A_59 : vector<16xi32>
        %add3A_61 = arith.constant 1 : i32
        %add3A_62 = vector.broadcast %add3A_61 : i32 to vector<16xi32>
        %add3A_63 = arith.addi %mul3A_60, %add3A_62 : vector<16xi32>
        %add3A_64 = arith.constant 0 : i32
        %add3A_65 = arith.addi %add3A_64, %shift_right_arithmetic3A_49 : i32
        %mul3A_66 = arith.constant 8 : i32
        %mul3A_67 = arith.muli %add3A_65, %mul3A_66 : i32
        %mul3A_68 = arith.constant 128 : i32
        %mul3A_69 = arith.muli %mul3A_67, %mul3A_68 : i32
        %mul3A_70 = arith.constant 16 : i32
        %mul3A_71 = arith.muli %and3A_50, %mul3A_70 : i32
        %add3A_72 = arith.addi %mul3A_69, %mul3A_71 : i32
        %add3A_73 = arith.constant 0 : i32
        %add3A_74 = arith.addi %add3A_72, %add3A_73 : i32
        %get3A = arith.index_cast %add3A_74 : i32 to index
        %get3A_75 = tpu.vector_load %arg8[%get3A] {strides = array<i32>} : memref<16384xf32, #tpu.memory_space<vmem>>, vector<16xf32>,
        %add3A_76 = arith.constant 128 : i32
        %add3A_77 = arith.addi %add3A_72, %add3A_76 : i32
        %get3A_78 = arith.index_cast %add3A_77 : i32 to index
        %get3A_79 = tpu.vector_load %arg8[%get3A_78] {strides = array<i32>} : memref<16384xf32, #tpu.memory_space<vmem>>, vector<16xf32>,
        %add3A_80 = arith.constant 256 : i32
        %add3A_81 = arith.addi %add3A_72, %add3A_80 : i32
        %get3A_82 = arith.index_cast %add3A_81 : i32 to index
        %get3A_83 = tpu.vector_load %arg8[%get3A_82] {strides = array<i32>} : memref<16384xf32, #tpu.memory_space<vmem>>, vector<16xf32>,
        %add3A_84 = arith.constant 384 : i32
        %add3A_85 = arith.addi %add3A_72, %add3A_84 : i32
        %get3A_86 = arith.index_cast %add3A_85 : i32 to index
        %get3A_87 = tpu.vector_load %arg8[%get3A_86] {strides = array<i32>} : memref<16384xf32, #tpu.memory_space<vmem>>, vector<16xf32>,
        %add3A_88 = arith.constant 512 : i32
        %add3A_89 = arith.addi %add3A_72, %add3A_88 : i32
        %get3A_90 = arith.index_cast %add3A_89 : i32 to index
        %get3A_91 = tpu.vector_load %arg8[%get3A_90] {strides = array<i32>} : memref<16384xf32, #tpu.memory_space<vmem>>, vector<16xf32>,
        %add3A_92 = arith.constant 640 : i32
        %add3A_93 = arith.addi %add3A_72, %add3A_92 : i32
        %get3A_94 = arith.index_cast %add3A_93 : i32 to index
        %get3A_95 = tpu.vector_load %arg8[%get3A_94] {strides = array<i32>} : memref<16384xf32, #tpu.memory_space<vmem>>, vector<16xf32>,
        %add3A_96 = arith.constant 768 : i32
        %add3A_97 = arith.addi %add3A_72, %add3A_96 : i32
        %get3A_98 = arith.index_cast %add3A_97 : i32 to index
        %get3A_99 = tpu.vector_load %arg8[%get3A_98] {strides = array<i32>} : memref<16384xf32, #tpu.memory_space<vmem>>, vector<16xf32>,
        %add3A_100 = arith.constant 896 : i32
        %add3A_101 = arith.addi %add3A_72, %add3A_100 : i32
        %get3A_102 = arith.index_cast %add3A_101 : i32 to index
        %get3A_103 = tpu.vector_load %arg8[%get3A_102] {strides = array<i32>} : memref<16384xf32, #tpu.memory_space<vmem>>, vector<16xf32>,
        %gather3A_104 = tpu.vector_load_idx %arg9[%add3A_63] : memref<8192xi32, #tpu.memory_space<vmem>>[vector<16xi32>], vector<16xi32>,
        %shift_right_arithmetic3A_105 = arith.constant 7 : i32
        %shift_right_arithmetic3A_106 = vector.broadcast %shift_right_arithmetic3A_105 : i32 to vector<16xi32>
        %shift_right_arithmetic3A_107 = arith.shrsi %add3A_63, %shift_right_arithmetic3A_106 : vector<16xi32>
        %and3A_108 = arith.constant 127 : i32
        %and3A_109 = vector.broadcast %and3A_108 : i32 to vector<16xi32>
        %and3A_110 = arith.andi %add3A_63, %and3A_109 : vector<16xi32>
        %gather3A_111 = tpu.vector_load_idx %arg10[%broadcast_in_dim3A_29, %shift_right_arithmetic3A_107, %and3A_110] : memref<2x64x128xi32, #tpu.memory_space<vmem>>[vector<16xi32>, vector<16xi32>, vector<16xi32>], vector<16xi32>,
        %jit3A = arith.constant 0 : i32
        %jit3A_112 = arith.constant 31 : i32
        %max3A = vector.broadcast %jit3A : i32 to vector<16xi32>
        %max3A_113 = arith.maxsi %max3A, %gather3A_104 : vector<16xi32>
        %min3A = vector.broadcast %jit3A_112 : i32 to vector<16xi32>
        %min3A_114 = arith.minsi %min3A, %max3A_113 : vector<16xi32>
        %gather3A_115 = tpu.vector_load_idx %arg11[%min3A_114] : memref<128xf32, #tpu.memory_space<vmem>>[vector<16xi32>], vector<16xf32>,
        %add3A_116 = arith.constant 32 : i32
        %add3A_117 = vector.broadcast %add3A_116 : i32 to vector<16xi32>
        %add3A_118 = arith.addi %min3A_114, %add3A_117 : vector<16xi32>
        %gather3A_119 = tpu.vector_load_idx %arg11[%add3A_118] : memref<128xf32, #tpu.memory_space<vmem>>[vector<16xi32>], vector<16xf32>,
        %add3A_120 = arith.constant 64 : i32
        %add3A_121 = vector.broadcast %add3A_120 : i32 to vector<16xi32>
        %add3A_122 = arith.addi %min3A_114, %add3A_121 : vector<16xi32>
        %gather3A_123 = tpu.vector_load_idx %arg11[%add3A_122] : memref<128xf32, #tpu.memory_space<vmem>>[vector<16xi32>], vector<16xf32>,
        %ne3A = arith.constant 0 : i32
        %ne3A_124 = vector.broadcast %ne3A : i32 to vector<16xi32>
        %ne3A_125 = arith.cmpi ne, %gather3A_111, %ne3A_124 : vector<16xi32>
        %ge3A = arith.constant 0 : i32
        %ge3A_126 = vector.broadcast %ge3A : i32 to vector<16xi32>
        %ge3A_127 = arith.cmpi sge, %gather3A_104, %ge3A_126 : vector<16xi32>
        %and3A_128 = arith.andi %ne3A_125, %ge3A_127 : vector<16xi1>
        %lt3A = arith.constant 20 : i32
        %lt3A_129 = vector.broadcast %lt3A : i32 to vector<16xi32>
        %lt3A_130 = arith.cmpi slt, %gather3A_104, %lt3A_129 : vector<16xi32>
        %and3A_131 = arith.andi %and3A_128, %lt3A_130 : vector<16xi1>
        %ne3A_132 = arith.constant 9.990000e+02 : f32
        %ne3A_133 = vector.broadcast %ne3A_132 : f32 to vector<16xf32>
        %ne3A_134 = arith.cmpf one, %get3A_75, %ne3A_133 : vector<16xf32>
        %and3A_135 = arith.andi %and3A_131, %ne3A_134 : vector<16xi1>
        %ne3A_136 = arith.constant 9.990000e+02 : f32
        %ne3A_137 = vector.broadcast %ne3A_136 : f32 to vector<16xf32>
        %ne3A_138 = arith.cmpf one, %get3A_79, %ne3A_137 : vector<16xf32>
        %and3A_139 = arith.andi %and3A_135, %ne3A_138 : vector<16xi1>
        %mul3A_140 = arith.mulf %get3A_75, %get3A_75 : vector<16xf32>
        %mul3A_141 = arith.mulf %get3A_79, %get3A_79 : vector<16xf32>
        %add3A_142 = arith.addf %mul3A_140, %mul3A_141 : vector<16xf32>
        %mul3A_143 = arith.constant -5.000000e-01 : f32
        %mul3A_144 = vector.broadcast %mul3A_143 : f32 to vector<16xf32>
        %mul3A_145 = arith.mulf %mul3A_144, %add3A_142 : vector<16xf32>
        %sub3A = arith.constant 1.83787704 : f32
        %sub3A_146 = vector.broadcast %sub3A : f32 to vector<16xf32>
        %sub3A_147 = arith.subf %mul3A_145, %sub3A_146 : vector<16xf32>
        %mul3A_148 = arith.mulf %sub3A_147, %gather3A : vector<16xf32>
        %min3A_149 = arith.constant 5.000000e+00 : f32
        %min3A_150 = vector.broadcast %min3A_149 : f32 to vector<16xf32>
        %min3A_151 = arith.minimumf %mul3A_148, %min3A_150 : vector<16xf32>
        %mul3A_152 = arith.mulf %get3A_83, %get3A_83 : vector<16xf32>
        %mul3A_153 = arith.constant -5.000000e-01 : f32
        %mul3A_154 = vector.broadcast %mul3A_153 : f32 to vector<16xf32>
        %mul3A_155 = arith.mulf %mul3A_154, %mul3A_152 : vector<16xf32>
        %sub3A_156 = arith.constant 0.918938517 : f32
        %sub3A_157 = vector.broadcast %sub3A_156 : f32 to vector<16xf32>
        %sub3A_158 = arith.subf %mul3A_155, %sub3A_157 : vector<16xf32>
        %mul3A_159 = arith.mulf %sub3A_158, %gather3A_4 : vector<16xf32>
        %add3A_160 = arith.addf %min3A_151, %mul3A_159 : vector<16xf32>
        %mul3A_161 = arith.constant -5.000000e-01 : f32
        %mul3A_162 = vector.broadcast %mul3A_161 : f32 to vector<16xf32>
        %mul3A_163 = arith.mulf %mul3A_162, %add3A_160 : vector<16xf32>
        %jit3A_164 = arith.constant 0.000000e+00 : f32
        %jit3A_165 = arith.constant 5.000000e+00 : f32
        %max3A_166 = vector.broadcast %jit3A_164 : f32 to vector<16xf32>
        %max3A_167 = arith.maximumf %max3A_166, %mul3A_163 : vector<16xf32>
        %min3A_168 = vector.broadcast %jit3A_165 : f32 to vector<16xf32>
        %min3A_169 = arith.minimumf %min3A_168, %max3A_167 : vector<16xf32>
        %mul3A_170 = arith.mulf %get3A_87, %get3A_87 : vector<16xf32>
        %mul3A_171 = arith.mulf %get3A_91, %get3A_91 : vector<16xf32>
        %add3A_172 = arith.addf %mul3A_170, %mul3A_171 : vector<16xf32>
        %mul3A_173 = arith.mulf %get3A_95, %get3A_95 : vector<16xf32>
        %add3A_174 = arith.addf %add3A_172, %mul3A_173 : vector<16xf32>
        %mul3A_175 = arith.mulf %get3A_99, %get3A_99 : vector<16xf32>
        %add3A_176 = arith.addf %add3A_174, %mul3A_175 : vector<16xf32>
        %mul3A_177 = arith.mulf %get3A_103, %get3A_103 : vector<16xf32>
        %add3A_178 = arith.addf %add3A_176, %mul3A_177 : vector<16xf32>
        %eq3A = arith.constant 1.000000e+00 : f32
        %eq3A_179 = vector.broadcast %eq3A : f32 to vector<16xf32>
        %eq3A_180 = arith.cmpf oeq, %gather3A_115, %eq3A_179 : vector<16xf32>
        %select_n3A = arith.select %eq3A_180, %mul3A_170, %broadcast_in_dim3A_6 : vector<16xi1>, vector<16xf32>
        %eq3A_181 = arith.constant 2.000000e+00 : f32
        %eq3A_182 = vector.broadcast %eq3A_181 : f32 to vector<16xf32>
        %eq3A_183 = arith.cmpf oeq, %gather3A_115, %eq3A_182 : vector<16xf32>
        %select_n3A_184 = arith.select %eq3A_183, %add3A_172, %select_n3A : vector<16xi1>, vector<16xf32>
        %eq3A_185 = arith.constant 3.000000e+00 : f32
        %eq3A_186 = vector.broadcast %eq3A_185 : f32 to vector<16xf32>
        %eq3A_187 = arith.cmpf oeq, %gather3A_115, %eq3A_186 : vector<16xf32>
        %select_n3A_188 = arith.select %eq3A_187, %add3A_174, %select_n3A_184 : vector<16xi1>, vector<16xf32>
        %eq3A_189 = arith.constant 4.000000e+00 : f32
        %eq3A_190 = vector.broadcast %eq3A_189 : f32 to vector<16xf32>
        %eq3A_191 = arith.cmpf oeq, %gather3A_115, %eq3A_190 : vector<16xf32>
        %select_n3A_192 = arith.select %eq3A_191, %add3A_176, %select_n3A_188 : vector<16xi1>, vector<16xf32>
        %eq3A_193 = arith.constant 5.000000e+00 : f32
        %eq3A_194 = vector.broadcast %eq3A_193 : f32 to vector<16xf32>
        %eq3A_195 = arith.cmpf oeq, %gather3A_115, %eq3A_194 : vector<16xf32>
        %select_n3A_196 = arith.select %eq3A_195, %add3A_178, %select_n3A_192 : vector<16xi1>, vector<16xf32>
        %mul3A_197 = arith.constant -5.000000e-01 : f32
        %mul3A_198 = vector.broadcast %mul3A_197 : f32 to vector<16xf32>
        %mul3A_199 = arith.mulf %mul3A_198, %select_n3A_196 : vector<16xf32>
        %add3A_200 = arith.addf %mul3A_199, %gather3A_119 : vector<16xf32>
        %mul3A_201 = arith.mulf %add3A_200, %gather3A_123 : vector<16xf32>
        %min3A_202 = arith.constant 5.000000e+00 : f32
        %min3A_203 = vector.broadcast %min3A_202 : f32 to vector<16xf32>
        %min3A_204 = arith.minimumf %mul3A_201, %min3A_203 : vector<16xf32>
        %mul3A_205 = arith.constant -5.000000e-01 : f32
        %mul3A_206 = vector.broadcast %mul3A_205 : f32 to vector<16xf32>
        %mul3A_207 = arith.mulf %mul3A_206, %min3A_204 : vector<16xf32>
        %jit3A_208 = arith.constant 0.000000e+00 : f32
        %jit3A_209 = arith.constant 5.000000e+00 : f32
        %max3A_210 = vector.broadcast %jit3A_208 : f32 to vector<16xf32>
        %max3A_211 = arith.maximumf %max3A_210, %mul3A_207 : vector<16xf32>
        %min3A_212 = vector.broadcast %jit3A_209 : f32 to vector<16xf32>
        %min3A_213 = arith.minimumf %min3A_212, %max3A_211 : vector<16xf32>
        %mul3A_214 = arith.constant 2 : i32
        %mul3A_215 = arith.muli %shift_right_arithmetic3A_49, %mul3A_214 : i32
        %add3A_216 = arith.constant 0 : i32
        %add3A_217 = arith.addi %mul3A_215, %add3A_216 : i32
        %mul3A_218 = arith.constant 128 : i32
        %mul3A_219 = arith.muli %add3A_217, %mul3A_218 : i32
        %mul3A_220 = arith.constant 16 : i32
        %mul3A_221 = arith.muli %and3A_50, %mul3A_220 : i32
        %add3A_222 = arith.addi %mul3A_219, %mul3A_221 : i32
        %select_n3A_223 = arith.select %and3A_139, %min3A_169, %broadcast_in_dim3A_6 : vector<16xi1>, vector<16xf32>
        %swap3A = arith.index_cast %add3A_222 : i32 to index
        %swap3A_224 = tpu.vector_load %arg12[%swap3A] {strides = array<i32>} : memref<2048xf32, #tpu.memory_space<vmem>>, vector<16xf32>,
        tpu.vector_store %arg12[%swap3A], %select_n3A_223 {strides = array<i32>} : memref<2048xf32, #tpu.memory_space<vmem>>, vector<16xf32>,
        %gt3A = arith.constant 0.000000e+00 : f32
        %gt3A_225 = vector.broadcast %gt3A : f32 to vector<16xf32>
        %gt3A_226 = arith.cmpf ogt, %gather3A_115, %gt3A_225 : vector<16xf32>
        %and3A_227 = arith.andi %and3A_139, %gt3A_226 : vector<16xi1>
        %select_n3A_228 = arith.select %and3A_227, %min3A_213, %broadcast_in_dim3A_6 : vector<16xi1>, vector<16xf32>
        %swap3A_229 = arith.index_cast %add3A_222 : i32 to index
        %swap3A_230 = tpu.vector_load %arg13[%swap3A_229] {strides = array<i32>} : memref<2048xf32, #tpu.memory_space<vmem>>, vector<16xf32>,
        tpu.vector_store %arg13[%swap3A_229], %select_n3A_228 {strides = array<i32>} : memref<2048xf32, #tpu.memory_space<vmem>>, vector<16xf32>,
      }
      %scan3A_35 = arith.constant 64 : i32
      %broadcast_in_dim3A_36 = arith.constant 1 : i32
      %broadcast_in_dim3A_37 = vector.broadcast %broadcast_in_dim3A_36 : i32 to vector<16xi32>
      %scan3A_38 = arith.constant 0 : i32
      %scan3A_39 = arith.constant 0 : i32
      %scan3A_40 = arith.constant 64 : i32
      %scan3A_41 = arith.addi %scan3A_39, %scan3A_40 : i32
      %scan3A_42 = arith.constant 1 : i32
      scf.for %scan3A_48 = %scan3A_39 to %scan3A_41 step %scan3A_42  : i32 {
        %shift_right_arithmetic3A = arith.constant 3 : i32
        %shift_right_arithmetic3A_49 = arith.shrsi %scan3A_48, %shift_right_arithmetic3A : i32
        %and3A = arith.constant 7 : i32
        %and3A_50 = arith.andi %scan3A_48, %and3A : i32
        %mul3A_51 = arith.constant 128 : i32
        %mul3A_52 = arith.muli %shift_right_arithmetic3A_49, %mul3A_51 : i32
        %mul3A_53 = arith.constant 16 : i32
        %mul3A_54 = arith.muli %and3A_50, %mul3A_53 : i32
        %add3A_55 = arith.addi %mul3A_52, %mul3A_54 : i32
        %add3A_56 = vector.broadcast %add3A_55 : i32 to vector<16xi32>
        %add3A_57 = arith.addi %add3A_56, %iota3A : vector<16xi32>
        %mul3A_58 = arith.constant 8 : i32
        %mul3A_59 = vector.broadcast %mul3A_58 : i32 to vector<16xi32>
        %mul3A_60 = arith.muli %add3A_57, %mul3A_59 : vector<16xi32>
        %add3A_61 = arith.constant 1 : i32
        %add3A_62 = vector.broadcast %add3A_61 : i32 to vector<16xi32>
        %add3A_63 = arith.addi %mul3A_60, %add3A_62 : vector<16xi32>
        %add3A_64 = arith.constant 8 : i32
        %add3A_65 = arith.addi %add3A_64, %shift_right_arithmetic3A_49 : i32
        %mul3A_66 = arith.constant 8 : i32
        %mul3A_67 = arith.muli %add3A_65, %mul3A_66 : i32
        %mul3A_68 = arith.constant 128 : i32
        %mul3A_69 = arith.muli %mul3A_67, %mul3A_68 : i32
        %mul3A_70 = arith.constant 16 : i32
        %mul3A_71 = arith.muli %and3A_50, %mul3A_70 : i32
        %add3A_72 = arith.addi %mul3A_69, %mul3A_71 : i32
        %add3A_73 = arith.constant 0 : i32
        %add3A_74 = arith.addi %add3A_72, %add3A_73 : i32
        %get3A = arith.index_cast %add3A_74 : i32 to index
        %get3A_75 = tpu.vector_load %arg8[%get3A] {strides = array<i32>} : memref<16384xf32, #tpu.memory_space<vmem>>, vector<16xf32>,
        %add3A_76 = arith.constant 128 : i32
        %add3A_77 = arith.addi %add3A_72, %add3A_76 : i32
        %get3A_78 = arith.index_cast %add3A_77 : i32 to index
        %get3A_79 = tpu.vector_load %arg8[%get3A_78] {strides = array<i32>} : memref<16384xf32, #tpu.memory_space<vmem>>, vector<16xf32>,
        %add3A_80 = arith.constant 256 : i32
        %add3A_81 = arith.addi %add3A_72, %add3A_80 : i32
        %get3A_82 = arith.index_cast %add3A_81 : i32 to index
        %get3A_83 = tpu.vector_load %arg8[%get3A_82] {strides = array<i32>} : memref<16384xf32, #tpu.memory_space<vmem>>, vector<16xf32>,
        %add3A_84 = arith.constant 384 : i32
        %add3A_85 = arith.addi %add3A_72, %add3A_84 : i32
        %get3A_86 = arith.index_cast %add3A_85 : i32 to index
        %get3A_87 = tpu.vector_load %arg8[%get3A_86] {strides = array<i32>} : memref<16384xf32, #tpu.memory_space<vmem>>, vector<16xf32>,
        %add3A_88 = arith.constant 512 : i32
        %add3A_89 = arith.addi %add3A_72, %add3A_88 : i32
        %get3A_90 = arith.index_cast %add3A_89 : i32 to index
        %get3A_91 = tpu.vector_load %arg8[%get3A_90] {strides = array<i32>} : memref<16384xf32, #tpu.memory_space<vmem>>, vector<16xf32>,
        %add3A_92 = arith.constant 640 : i32
        %add3A_93 = arith.addi %add3A_72, %add3A_92 : i32
        %get3A_94 = arith.index_cast %add3A_93 : i32 to index
        %get3A_95 = tpu.vector_load %arg8[%get3A_94] {strides = array<i32>} : memref<16384xf32, #tpu.memory_space<vmem>>, vector<16xf32>,
        %add3A_96 = arith.constant 768 : i32
        %add3A_97 = arith.addi %add3A_72, %add3A_96 : i32
        %get3A_98 = arith.index_cast %add3A_97 : i32 to index
        %get3A_99 = tpu.vector_load %arg8[%get3A_98] {strides = array<i32>} : memref<16384xf32, #tpu.memory_space<vmem>>, vector<16xf32>,
        %add3A_100 = arith.constant 896 : i32
        %add3A_101 = arith.addi %add3A_72, %add3A_100 : i32
        %get3A_102 = arith.index_cast %add3A_101 : i32 to index
        %get3A_103 = tpu.vector_load %arg8[%get3A_102] {strides = array<i32>} : memref<16384xf32, #tpu.memory_space<vmem>>, vector<16xf32>,
        %gather3A_104 = tpu.vector_load_idx %arg9[%add3A_63] : memref<8192xi32, #tpu.memory_space<vmem>>[vector<16xi32>], vector<16xi32>,
        %shift_right_arithmetic3A_105 = arith.constant 7 : i32
        %shift_right_arithmetic3A_106 = vector.broadcast %shift_right_arithmetic3A_105 : i32 to vector<16xi32>
        %shift_right_arithmetic3A_107 = arith.shrsi %add3A_63, %shift_right_arithmetic3A_106 : vector<16xi32>
        %and3A_108 = arith.constant 127 : i32
        %and3A_109 = vector.broadcast %and3A_108 : i32 to vector<16xi32>
        %and3A_110 = arith.andi %add3A_63, %and3A_109 : vector<16xi32>
        %gather3A_111 = tpu.vector_load_idx %arg10[%broadcast_in_dim3A_37, %shift_right_arithmetic3A_107, %and3A_110] : memref<2x64x128xi32, #tpu.memory_space<vmem>>[vector<16xi32>, vector<16xi32>, vector<16xi32>], vector<16xi32>,
        %jit3A = arith.constant 0 : i32
        %jit3A_112 = arith.constant 31 : i32
        %max3A = vector.broadcast %jit3A : i32 to vector<16xi32>
        %max3A_113 = arith.maxsi %max3A, %gather3A_104 : vector<16xi32>
        %min3A = vector.broadcast %jit3A_112 : i32 to vector<16xi32>
        %min3A_114 = arith.minsi %min3A, %max3A_113 : vector<16xi32>
        %gather3A_115 = tpu.vector_load_idx %arg11[%min3A_114] : memref<128xf32, #tpu.memory_space<vmem>>[vector<16xi32>], vector<16xf32>,
        %add3A_116 = arith.constant 32 : i32
        %add3A_117 = vector.broadcast %add3A_116 : i32 to vector<16xi32>
        %add3A_118 = arith.addi %min3A_114, %add3A_117 : vector<16xi32>
        %gather3A_119 = tpu.vector_load_idx %arg11[%add3A_118] : memref<128xf32, #tpu.memory_space<vmem>>[vector<16xi32>], vector<16xf32>,
        %add3A_120 = arith.constant 64 : i32
        %add3A_121 = vector.broadcast %add3A_120 : i32 to vector<16xi32>
        %add3A_122 = arith.addi %min3A_114, %add3A_121 : vector<16xi32>
        %gather3A_123 = tpu.vector_load_idx %arg11[%add3A_122] : memref<128xf32, #tpu.memory_space<vmem>>[vector<16xi32>], vector<16xf32>,
        %ne3A = arith.constant 0 : i32
        %ne3A_124 = vector.broadcast %ne3A : i32 to vector<16xi32>
        %ne3A_125 = arith.cmpi ne, %gather3A_111, %ne3A_124 : vector<16xi32>
        %ge3A = arith.constant 0 : i32
        %ge3A_126 = vector.broadcast %ge3A : i32 to vector<16xi32>
        %ge3A_127 = arith.cmpi sge, %gather3A_104, %ge3A_126 : vector<16xi32>
        %and3A_128 = arith.andi %ne3A_125, %ge3A_127 : vector<16xi1>
        %lt3A = arith.constant 20 : i32
        %lt3A_129 = vector.broadcast %lt3A : i32 to vector<16xi32>
        %lt3A_130 = arith.cmpi slt, %gather3A_104, %lt3A_129 : vector<16xi32>
        %and3A_131 = arith.andi %and3A_128, %lt3A_130 : vector<16xi1>
        %ne3A_132 = arith.constant 9.990000e+02 : f32
        %ne3A_133 = vector.broadcast %ne3A_132 : f32 to vector<16xf32>
        %ne3A_134 = arith.cmpf one, %get3A_75, %ne3A_133 : vector<16xf32>
        %and3A_135 = arith.andi %and3A_131, %ne3A_134 : vector<16xi1>
        %ne3A_136 = arith.constant 9.990000e+02 : f32
        %ne3A_137 = vector.broadcast %ne3A_136 : f32 to vector<16xf32>
        %ne3A_138 = arith.cmpf one, %get3A_79, %ne3A_137 : vector<16xf32>
        %and3A_139 = arith.andi %and3A_135, %ne3A_138 : vector<16xi1>
        %mul3A_140 = arith.mulf %get3A_75, %get3A_75 : vector<16xf32>
        %mul3A_141 = arith.mulf %get3A_79, %get3A_79 : vector<16xf32>
        %add3A_142 = arith.addf %mul3A_140, %mul3A_141 : vector<16xf32>
        %mul3A_143 = arith.constant -5.000000e-01 : f32
        %mul3A_144 = vector.broadcast %mul3A_143 : f32 to vector<16xf32>
        %mul3A_145 = arith.mulf %mul3A_144, %add3A_142 : vector<16xf32>
        %sub3A = arith.constant 1.83787704 : f32
        %sub3A_146 = vector.broadcast %sub3A : f32 to vector<16xf32>
        %sub3A_147 = arith.subf %mul3A_145, %sub3A_146 : vector<16xf32>
        %mul3A_148 = arith.mulf %sub3A_147, %gather3A : vector<16xf32>
        %min3A_149 = arith.constant 5.000000e+00 : f32
        %min3A_150 = vector.broadcast %min3A_149 : f32 to vector<16xf32>
        %min3A_151 = arith.minimumf %mul3A_148, %min3A_150 : vector<16xf32>
        %mul3A_152 = arith.mulf %get3A_83, %get3A_83 : vector<16xf32>
        %mul3A_153 = arith.constant -5.000000e-01 : f32
        %mul3A_154 = vector.broadcast %mul3A_153 : f32 to vector<16xf32>
        %mul3A_155 = arith.mulf %mul3A_154, %mul3A_152 : vector<16xf32>
        %sub3A_156 = arith.constant 0.918938517 : f32
        %sub3A_157 = vector.broadcast %sub3A_156 : f32 to vector<16xf32>
        %sub3A_158 = arith.subf %mul3A_155, %sub3A_157 : vector<16xf32>
        %mul3A_159 = arith.mulf %sub3A_158, %gather3A_4 : vector<16xf32>
        %add3A_160 = arith.addf %min3A_151, %mul3A_159 : vector<16xf32>
        %mul3A_161 = arith.constant -5.000000e-01 : f32
        %mul3A_162 = vector.broadcast %mul3A_161 : f32 to vector<16xf32>
        %mul3A_163 = arith.mulf %mul3A_162, %add3A_160 : vector<16xf32>
        %jit3A_164 = arith.constant 0.000000e+00 : f32
        %jit3A_165 = arith.constant 5.000000e+00 : f32
        %max3A_166 = vector.broadcast %jit3A_164 : f32 to vector<16xf32>
        %max3A_167 = arith.maximumf %max3A_166, %mul3A_163 : vector<16xf32>
        %min3A_168 = vector.broadcast %jit3A_165 : f32 to vector<16xf32>
        %min3A_169 = arith.minimumf %min3A_168, %max3A_167 : vector<16xf32>
        %mul3A_170 = arith.mulf %get3A_87, %get3A_87 : vector<16xf32>
        %mul3A_171 = arith.mulf %get3A_91, %get3A_91 : vector<16xf32>
        %add3A_172 = arith.addf %mul3A_170, %mul3A_171 : vector<16xf32>
        %mul3A_173 = arith.mulf %get3A_95, %get3A_95 : vector<16xf32>
        %add3A_174 = arith.addf %add3A_172, %mul3A_173 : vector<16xf32>
        %mul3A_175 = arith.mulf %get3A_99, %get3A_99 : vector<16xf32>
        %add3A_176 = arith.addf %add3A_174, %mul3A_175 : vector<16xf32>
        %mul3A_177 = arith.mulf %get3A_103, %get3A_103 : vector<16xf32>
        %add3A_178 = arith.addf %add3A_176, %mul3A_177 : vector<16xf32>
        %eq3A = arith.constant 1.000000e+00 : f32
        %eq3A_179 = vector.broadcast %eq3A : f32 to vector<16xf32>
        %eq3A_180 = arith.cmpf oeq, %gather3A_115, %eq3A_179 : vector<16xf32>
        %select_n3A = arith.select %eq3A_180, %mul3A_170, %broadcast_in_dim3A_6 : vector<16xi1>, vector<16xf32>
        %eq3A_181 = arith.constant 2.000000e+00 : f32
        %eq3A_182 = vector.broadcast %eq3A_181 : f32 to vector<16xf32>
        %eq3A_183 = arith.cmpf oeq, %gather3A_115, %eq3A_182 : vector<16xf32>
        %select_n3A_184 = arith.select %eq3A_183, %add3A_172, %select_n3A : vector<16xi1>, vector<16xf32>
        %eq3A_185 = arith.constant 3.000000e+00 : f32
        %eq3A_186 = vector.broadcast %eq3A_185 : f32 to vector<16xf32>
        %eq3A_187 = arith.cmpf oeq, %gather3A_115, %eq3A_186 : vector<16xf32>
        %select_n3A_188 = arith.select %eq3A_187, %add3A_174, %select_n3A_184 : vector<16xi1>, vector<16xf32>
        %eq3A_189 = arith.constant 4.000000e+00 : f32
        %eq3A_190 = vector.broadcast %eq3A_189 : f32 to vector<16xf32>
        %eq3A_191 = arith.cmpf oeq, %gather3A_115, %eq3A_190 : vector<16xf32>
        %select_n3A_192 = arith.select %eq3A_191, %add3A_176, %select_n3A_188 : vector<16xi1>, vector<16xf32>
        %eq3A_193 = arith.constant 5.000000e+00 : f32
        %eq3A_194 = vector.broadcast %eq3A_193 : f32 to vector<16xf32>
        %eq3A_195 = arith.cmpf oeq, %gather3A_115, %eq3A_194 : vector<16xf32>
        %select_n3A_196 = arith.select %eq3A_195, %add3A_178, %select_n3A_192 : vector<16xi1>, vector<16xf32>
        %mul3A_197 = arith.constant -5.000000e-01 : f32
        %mul3A_198 = vector.broadcast %mul3A_197 : f32 to vector<16xf32>
        %mul3A_199 = arith.mulf %mul3A_198, %select_n3A_196 : vector<16xf32>
        %add3A_200 = arith.addf %mul3A_199, %gather3A_119 : vector<16xf32>
        %mul3A_201 = arith.mulf %add3A_200, %gather3A_123 : vector<16xf32>
        %min3A_202 = arith.constant 5.000000e+00 : f32
        %min3A_203 = vector.broadcast %min3A_202 : f32 to vector<16xf32>
        %min3A_204 = arith.minimumf %mul3A_201, %min3A_203 : vector<16xf32>
        %mul3A_205 = arith.constant -5.000000e-01 : f32
        %mul3A_206 = vector.broadcast %mul3A_205 : f32 to vector<16xf32>
        %mul3A_207 = arith.mulf %mul3A_206, %min3A_204 : vector<16xf32>
        %jit3A_208 = arith.constant 0.000000e+00 : f32
        %jit3A_209 = arith.constant 5.000000e+00 : f32
        %max3A_210 = vector.broadcast %jit3A_208 : f32 to vector<16xf32>
        %max3A_211 = arith.maximumf %max3A_210, %mul3A_207 : vector<16xf32>
        %min3A_212 = vector.broadcast %jit3A_209 : f32 to vector<16xf32>
        %min3A_213 = arith.minimumf %min3A_212, %max3A_211 : vector<16xf32>
        %mul3A_214 = arith.constant 2 : i32
        %mul3A_215 = arith.muli %shift_right_arithmetic3A_49, %mul3A_214 : i32
        %add3A_216 = arith.constant 1 : i32
        %add3A_217 = arith.addi %mul3A_215, %add3A_216 : i32
        %mul3A_218 = arith.constant 128 : i32
        %mul3A_219 = arith.muli %add3A_217, %mul3A_218 : i32
        %mul3A_220 = arith.constant 16 : i32
        %mul3A_221 = arith.muli %and3A_50, %mul3A_220 : i32
        %add3A_222 = arith.addi %mul3A_219, %mul3A_221 : i32
        %select_n3A_223 = arith.select %and3A_139, %min3A_169, %broadcast_in_dim3A_6 : vector<16xi1>, vector<16xf32>
        %swap3A = arith.index_cast %add3A_222 : i32 to index
        %swap3A_224 = tpu.vector_load %arg12[%swap3A] {strides = array<i32>} : memref<2048xf32, #tpu.memory_space<vmem>>, vector<16xf32>,
        tpu.vector_store %arg12[%swap3A], %select_n3A_223 {strides = array<i32>} : memref<2048xf32, #tpu.memory_space<vmem>>, vector<16xf32>,
        %gt3A = arith.constant 0.000000e+00 : f32
        %gt3A_225 = vector.broadcast %gt3A : f32 to vector<16xf32>
        %gt3A_226 = arith.cmpf ogt, %gather3A_115, %gt3A_225 : vector<16xf32>
        %and3A_227 = arith.andi %and3A_139, %gt3A_226 : vector<16xi1>
        %select_n3A_228 = arith.select %and3A_227, %min3A_213, %broadcast_in_dim3A_6 : vector<16xi1>, vector<16xf32>
        %swap3A_229 = arith.index_cast %add3A_222 : i32 to index
        %swap3A_230 = tpu.vector_load %arg13[%swap3A_229] {strides = array<i32>} : memref<2048xf32, #tpu.memory_space<vmem>>, vector<16xf32>,
        tpu.vector_store %arg13[%swap3A_229], %select_n3A_228 {strides = array<i32>} : memref<2048xf32, #tpu.memory_space<vmem>>, vector<16xf32>,
      }
      %scan3A_43 = arith.constant 64 : i32
      %mul3A_44 = arith.constant 2048 : i32
      %mul3A_45 = arith.muli %add3A_15, %mul3A_44 : i32
      "tpu.region"() ({
        %run_scoped3A_48 = tpu.sem_alloc : memref<!tpu.dma_semaphore, #tpu.memory_space<semaphore_mem>>
        %dma_start3A = tpu.memref_slice %arg6[%mul3A_45] : memref<262144xf32, #tpu.memory_space<hbm>> -> memref<2048xf32, #tpu.memory_space<hbm>>
        %dma_start3A_49 = tpu.memref_slice %arg6[%mul3A_45] : memref<262144xf32, #tpu.memory_space<hbm>> -> memref<2048xf32, #tpu.memory_space<hbm>>
        tpu.enqueue_dma source(%arg12 : memref<2048xf32, #tpu.memory_space<vmem>>) target(%dma_start3A_49 : memref<2048xf32, #tpu.memory_space<hbm>>) target_semaphore(%run_scoped3A_48 : memref<!tpu.dma_semaphore, #tpu.memory_space<semaphore_mem>>)
        %dma_wait3A = tpu.memref_slice %arg6[%mul3A_45] : memref<262144xf32, #tpu.memory_space<hbm>> -> memref<2048xf32, #tpu.memory_space<hbm>>
        %dma_wait3A_50 = tpu.memref_slice %arg6[%mul3A_45] : memref<262144xf32, #tpu.memory_space<hbm>> -> memref<2048xf32, #tpu.memory_space<hbm>>
        tpu.wait_dma2 semaphore(%run_scoped3A_48 : memref<!tpu.dma_semaphore, #tpu.memory_space<semaphore_mem>>) src(%arg12 : memref<2048xf32, #tpu.memory_space<vmem>>) dst(%dma_wait3A_50 : memref<2048xf32, #tpu.memory_space<hbm>>)
        tpu.yield
      }) : () -> ()
      %mul3A_46 = arith.constant 2048 : i32
      %mul3A_47 = arith.muli %add3A_15, %mul3A_46 : i32
      "tpu.region"() ({
        %run_scoped3A_48 = tpu.sem_alloc : memref<!tpu.dma_semaphore, #tpu.memory_space<semaphore_mem>>
        %dma_start3A = tpu.memref_slice %arg7[%mul3A_47] : memref<262144xf32, #tpu.memory_space<hbm>> -> memref<2048xf32, #tpu.memory_space<hbm>>
        %dma_start3A_49 = tpu.memref_slice %arg7[%mul3A_47] : memref<262144xf32, #tpu.memory_space<hbm>> -> memref<2048xf32, #tpu.memory_space<hbm>>
        tpu.enqueue_dma source(%arg13 : memref<2048xf32, #tpu.memory_space<vmem>>) target(%dma_start3A_49 : memref<2048xf32, #tpu.memory_space<hbm>>) target_semaphore(%run_scoped3A_48 : memref<!tpu.dma_semaphore, #tpu.memory_space<semaphore_mem>>)
        %dma_wait3A = tpu.memref_slice %arg7[%mul3A_47] : memref<262144xf32, #tpu.memory_space<hbm>> -> memref<2048xf32, #tpu.memory_space<hbm>>
        %dma_wait3A_50 = tpu.memref_slice %arg7[%mul3A_47] : memref<262144xf32, #tpu.memory_space<hbm>> -> memref<2048xf32, #tpu.memory_space<hbm>>
        tpu.wait_dma2 semaphore(%run_scoped3A_48 : memref<!tpu.dma_semaphore, #tpu.memory_space<semaphore_mem>>) src(%arg13 : memref<2048xf32, #tpu.memory_space<vmem>>) dst(%dma_wait3A_50 : memref<2048xf32, #tpu.memory_space<hbm>>)
        tpu.yield
      }) : () -> ()
    }
    %scan3A_11 = arith.constant 4 : i32
    return
  }
}

</mosaic_0001>

<sc_bundles>
// kernel: kernel.3.cloned.1.call-start
scs
__scs_entry_jumppad:
0x0: {  	(pc) =	sbr.rel $0x88, $3  }
0x1: {  	(tag) =	ssettag $0x0;
	lr =	simm.s32 $0x1  }
0x2: {  	[smem:$0x3F9B] =	sst lr;
	_ =	strace $0xD0000000  }
0x3: {  	_ = 	snop  }
0x4: {  	_ = 	snop  }
0x5: {  	_ = 	snop  }
0x6: {  	_ = 	snop  }
0x7: {  	_ = 	snop  }
__scs_overlays_trampoline_lowered:
0x8: {  	[smem:$0x3FAA] =	sst s0  }
0x9: {  	[smem:$0x3FAB] =	sst s1  }
0xa: {  	[smem:$0x3FAC] =	sst s2  }
0xb: {  	[smem:$0x3FAD] =	sst s3  }
0xc: {  	[smem:$0x3FAE] =	sst s4  }
0xd: {  	[smem:$0x3FAF] =	sst s5  }
0xe: {  	[smem:$0x3FB0] =	sst s6  }
0xf: {  	[smem:$0x3FB1] =	sst s7  }
0x10: {  	[smem:$0x3FB2] =	sst s8  }
0x11: {  	[smem:$0x3FB3] =	sst s9;
	s0 =	simm.s32 @!p0 $0x0  }
0x12: {  	s1 =	sld [smem:$0x3F99];
	s0 =	simm.s32 @p0 $0x1  }
0x13: {  	[smem:$0x3FB4] =	sst s0;
	s0 =	simm.s32 @!p1 $0x0  }
0x14: {  	s2 =	sld [smem:$0x3F98];
	s0 =	simm.s32 @p1 $0x1  }
0x15: {  	[smem:$0x3FB5] =	sst s0;
	s0 =	simm.s32 @!p2 $0x0  }
0x16: {  	s3 =	sld [smem:$0x3FDB];
	s0 =	simm.s32 @p2 $0x1  }
0x17: {  	s4 =	simm.s32 $0x1BF5;
	[smem:$0x3FB7] =	sst s0  }
0x18: {  	s0 =	sld [smem:$0x3F9A];
	_ =	swait.ge [sflag:s4], $0x0  }
0x19: {  	s7 =	sld [smem:$0x3F9B]  }
0x1a: {  	s8 =	sadd.s32 $0xFFFFE003, lr  }
0x1b: {  	s9 =	sadd.s32 $0xFFFFFEF7, lr;
	s5 =	simm.s32 $0xFFFFFFFF;
	p2 =	slt.u32 s8, $0xFFFFF086  }
0x1c: {  	p1 =	slt.u32 s9, $0xF7A;
	s5 =	simm.s32 @!p2 $0x0  }
0x1d: {  	s5 =	simm.s32 @p1 $0x1;
	p0 =	seq.s32 s7, s2  }
0x1e: {  	s7 =	smul.u32 @!p0 $0xF7A, s2;
	p2 =	seq.s32 @!p0 s5, $0x0  }
0x1f: {  	s9 =	smul.u32 $0xF7A, s1;
	s8 =	simm.s32 @!p0 $0x1BF5;
	p2 =	por !p2, p0  }
0x20: {  	[sflag:s8] =	ssyncset.s32 @!p0 $0xFFFFF086;
	s6 =	sadd.s32 @!p0 s3, s7;
	s7 =	simm.s32 @!p0 $0x108  }
0x21: {  	s3 =	sadd.s32 s3, s9;
	s6 =	sadd.s32 @!p0 $0x88, s6;
	s7 =	simm.s32 @p2 $0x1082  }
0x22: {  	[simem:s7], [sflag:s8] =	dma.local @!p0 [hbm:s6], $0xF7A  }
0x23: {  	s9 =	sor.u32 $0xD0000000, s2;
	s6 =	simm.s32 $0x108;
	_ =	swait.ge @!p0 [sflag:s8], $0x0  }
0x24: {  	s3 =	sadd.s32 $0x88, s3;
	s6 =	simm.s32 @!p1 $0x1082;
	[sflag:s4] =	ssyncset.s32 $0xFFFFF086  }
0x25: {  	[simem:s6], [sflag:s4] =	dma.local [hbm:s3], $0xF7A  }
0x26: {  	[smem:$0x3F9B] =	sst s1;
	(tag) =	ssettag s2;
	_ =	strace s9  }
0x27: {  	s1 =	sld [smem:$0x3FAB]  }
0x28: {  	s2 =	sld [smem:$0x3FAC]  }
0x29: {  	s4 =	sld [smem:$0x3FAE]  }
0x2a: {  	p0 =	seq.s32 s5, $0x0;
	s5 =	sld [smem:$0x3FAF]  }
0x2b: {  	s6 =	sld [smem:$0x3FB0]  }
0x2c: {  	s7 =	sld [smem:$0x3FB1]  }
0x2d: {  	s3 =	simm.s32 $0x108;
	s8 =	sld [smem:$0x3FB2]  }
0x2e: {  	s3 =	simm.s32 @!p0 $0x1082;
	s9 =	sld [smem:$0x3FB3]  }
0x2f: {  	lr =	sadd.s32 s0, s3;
	s0 =	sld [smem:$0x3FAA]  }
0x30: {  	s3 =	sld [smem:$0x3FAD]  }
0x31: {  	[smem:$0x3FB6] =	sst s10  }
0x32: {  	s10 =	sld [smem:$0x3FB4];
	_ =	sdelay $0x3  }
0x33: {  	p0 =	seq.s32 s10, $0x1;
	s10 =	sld [smem:$0x3FB6];
	_ =	sdelay $0x3  }
0x34: {  	[smem:$0x3FB6] =	sst s10  }
0x35: {  	s10 =	sld [smem:$0x3FB5];
	_ =	sdelay $0x3  }
0x36: {  	p1 =	seq.s32 s10, $0x1;
	s10 =	sld [smem:$0x3FB6];
	_ =	sdelay $0x3  }
0x37: {  	[smem:$0x3FB6] =	sst s10  }
0x38: {  	s10 =	sld [smem:$0x3FB7]  }
0x39: {  	_ = 	snop;
	(pc) =	sbr.ind lr, $3  }
0x3a: {  	_ = 	snop  }
0x3b: {  	_ = 	snop  }
0x3c: {  	p2 =	seq.s32 s10, $0x1;
	s10 =	sld [smem:$0x3FB6]  }
0x3d: {  	_ =	shalt  }
0x3e: {  	_ =	shalt  }
0x3f: {  	_ =	shalt  }
0x40: {  	_ =	shalt  }
0x41: {  	_ =	shalt  }
0x42: {  	_ =	shalt  }
0x43: {  	_ =	shalt  }
0x44: {  	_ =	shalt  }
0x45: {  	_ =	shalt  }
0x46: {  	_ =	shalt  }
0x47: {  	_ =	shalt  }
0x48: {  	_ =	shalt  }
0x49: {  	_ =	shalt  }
0x4a: {  	_ =	shalt  }
0x4b: {  	_ =	shalt  }
0x4c: {  	_ =	shalt  }
0x4d: {  	_ =	shalt  }
0x4e: {  	_ =	shalt  }
0x4f: {  	_ =	shalt  }
0x50: {  	_ =	shalt  }
0x51: {  	_ =	shalt  }
0x52: {  	_ =	shalt  }
0x53: {  	_ =	shalt  }
0x54: {  	_ =	shalt  }
0x55: {  	_ =	shalt  }
0x56: {  	_ =	shalt  }
0x57: {  	_ =	shalt  }
0x58: {  	_ =	shalt  }
0x59: {  	_ =	shalt  }
0x5a: {  	_ =	shalt  }
0x5b: {  	_ =	shalt  }
0x5c: {  	_ =	shalt  }
0x5d: {  	_ =	shalt  }
0x5e: {  	_ =	shalt  }
0x5f: {  	_ =	shalt  }
0x60: {  	_ =	shalt  }
0x61: {  	_ =	shalt  }
0x62: {  	_ =	shalt  }
0x63: {  	_ =	shalt  }
0x64: {  	_ =	shalt  }
0x65: {  	_ =	shalt  }
0x66: {  	_ =	shalt  }
0x67: {  	_ =	shalt  }
0x68: {  	_ =	shalt  }
0x69: {  	_ =	shalt  }
0x6a: {  	_ =	shalt  }
0x6b: {  	_ =	shalt  }
0x6c: {  	_ =	shalt  }
0x6d: {  	_ =	shalt  }
0x6e: {  	_ =	shalt  }
0x6f: {  	_ =	shalt  }
0x70: {  	_ =	shalt  }
0x71: {  	_ =	shalt  }
0x72: {  	_ =	shalt  }
0x73: {  	_ =	shalt  }
0x74: {  	_ =	shalt  }
0x75: {  	_ =	shalt  }
0x76: {  	_ =	shalt  }
0x77: {  	_ =	shalt  }
0x78: {  	_ =	shalt  }
0x79: {  	_ =	shalt  }
0x7a: {  	_ =	shalt  }
0x7b: {  	_ =	shalt  }
0x7c: {  	_ =	shalt  }
0x7d: {  	_ =	shalt  }
0x7e: {  	_ =	shalt  }
0x7f: {  	_ =	shalt  }
0x80: {  	_ =	shalt  }
0x81: {  	_ =	shalt  }
0x82: {  	_ =	shalt  }
0x83: {  	_ =	shalt  }
0x84: {  	_ =	shalt  }
0x85: {  	_ =	shalt  }
0x86: {  	_ =	shalt  }
0x87: {  	_ =	shalt  }
.Lfunc_end0:
.L_simem_size_0:
called_computation_lowered:
.L_overlay_start_0:
0x88: {  	s2 =	sld [smem:$0x3FD9]  }
0x89: {  	s3 =	sld [smem:$0x3FFE];
	_ =	sdelay $0x1  }
0x8a: {  	s1 =	srdreg.scid  }
0x8b: {  	s0 =	sand.u32 $0x1, s1  }
0x8c: {  	s14 =	sshll.u32 s0, $0xA;
	s2 =	sadd.s32 s3, s2  }
0x8d: {  	s2 =	sadd.s32 s2, s14  }
0x8e: {  	[smem:$0x3FC2] =	sst s2  }
0x8f: {  	_ = 	snop  }
0x90: {  	s2 =	sld [smem:$0x3FD0];
	_ =	sdelay $0x1  }
0x91: {  	s15 =	sld [smem:$0x3FC9]  }
0x92: {  	s5 =	simm.s32 $0xA;
	s6 =	simm.s32 $0x10;
	s4 =	sld [smem:$0x3FC8]  }
0x93: {  	[smem:s6], [sflag:s5] =	dma.local [hbm:s2], $0x1  }
0x94: {  	_ =	swait.eq [sflag:s5], $0x1  }
0x95: {  	[sflag:s5] =	ssyncset.done $0x0  }
0x96: {  	s16 =	sld [smem:$0x10];
	[sflag:s5] =	ssyncadd.s32 $0xFFFFFFFF  }
0x97: {  	s17 =	sld [smem:$0x11];
	(tm) =	ssettm $0x1  }
0x98: {  	s18 =	sld [smem:$0x3FFB];
	_ =	sdelay $0x3  }
0x99: {  	_ =	strace s18  }
0x9a: {  	s6 =	sld [smem:$0x3FFC];
	_ =	sdelay $0x3  }
0x9b: {  	_ =	strace s6  }
0x9c: {  	s6 =	sld [smem:$0x3FFD];
	_ =	sdelay $0x3  }
0x9d: {  	_ =	strace s6  }
0x9e: {  	_ =	strace $0x8FFFFFFF  }
0x9f: {  	s19 =	sld [smem:$0x3FDB];
	_ =	sdelay $0x1  }
0xa0: {  	s7 =	simm.s32 $_scs_section_size  }
0xa1: {  	s8 =	simm.s32 $_size__tile_overlayer_lowered;
	s9 =	simm.s32 $_tile_overlayer_lowered  }
0xa2: {  	s22 =	simm.s32 $0x1BFF;
	s21 =	sshll.u32 s9, $0x1;
	s6 =	sadd.s32 s7, s19  }
0xa3: {  	s10 =	simm.s32 $0x0;
	s20 =	sshll.u32 s8, $0x1;
	s8 =	sadd.s32 s21, s6  }
0xa4: {  	[timem:s10], [sflag:s22] =	dma.local [hbm:s8], s20  }
0xa5: {  	_ =	swait.ge [sflag:s22], s20  }
0xa6: {  	s7 =	ssub.s32 $0x0, s20;
	[sflag:s22] =	ssyncset.done $0x0  }
0xa7: {  	[sflag:s22] =	ssyncadd.s32 s7;
	_ =	sdelay $0x1  }
0xa8: {  	s23 =	simm.s32 $0x1B8B  }
0xa9: {  	_ =	swait.ge [sflag:s23], $0x1  }
0xaa: {  	[sflag:s23] =	ssyncset.done $0x0  }
0xab: {  	s25 =	simm.s32 $0x1B8E;
	s24 =	sld [smem:$0x3FFE];
	[sflag:s23] =	ssyncadd.s32 $0xFFFFFFFF  }
0xac: {  	s26 =	simm.s32 $execute0_lowered;
	[smem:$0x3FD2] =	sst s25  }
0xad: {  	s8 =	sshll.u32 s26, $0x1;
	_ =	strace $0x80000046;
	[dreg:$0x1] =	wrdreg $0xFFFFFFFF  }
0xae: {  	s28 =	simm.s32 $_size_execute0_lowered;
	s6 =	sadd.s32 s6, s8;
	[dreg:$0x0] =	wrdreg $0x0  }
0xaf: {  	s8 =	sshll.u32 s28, $0x1;
	[dreg:$0x2] =	wrdreg s6  }
0xb0: {  	[dreg:$0x3] =	wrdreg s8  }
0xb1: {  	[dreg:$0x4] =	wrdreg $0xC0  }
0xb2: {  	_ =	task [dreg:s10], $0x5FFFF  }
0xb3: {  	[dreg:$0x1] =	wrdreg $0xFFFFFFFF  }
0xb4: {  	[dreg:$0x0] =	wrdreg $0x60  }
0xb5: {  	[dreg:$0x2] =	wrdreg s4  }
0xb6: {  	[dreg:$0x3] =	wrdreg s15  }
0xb7: {  	[dreg:$0x4] =	wrdreg s24  }
0xb8: {  	[dreg:$0x5] =	wrdreg s16  }
0xb9: {  	[dreg:$0x6] =	wrdreg s17  }
0xba: {  	[dreg:$0x7] =	wrdreg $0x9  }
0xbb: {  	_ =	task.clear_ibuf [dreg:s10], $0x8FFFF;
	_ =	strace $0x90000046  }
0xbc: {  	s29 =	simm.s32 $0x9;
	_ =	strace $0x80000048  }
0xbd: {  	_ =	swait.ge [sflag:s29], $0x1  }
0xbe: {  	[sflag:s29] =	ssyncadd.s32 $0xFFFFFFFF  }
0xbf: {  	_ =	strace $0x90000048  }
0xc0: {  	_ =	sfence  }
0xc1: {  	s30 =	sld [smem:$0x0];
	_ =	sdelay $0x2  }
0xc2: {  	s31 =	sshll.u32 s1, $0xD;
	s1 =	sshrl.u32 s1, $0x2  }
0xc3: {  	s3 =	sand.u32 $0x4000, s31;
	s1 =	sadd.s32 s1, s30  }
0xc4: {  	s0 =	sor.u32 s3, s0;
	s1 =	sshll.u32 s1, $0x11  }
0xc5: {  	s0 =	sor.u32 s1, s0  }
0xc6: {  	s0 =	sadd.s32 $0x8F2B, s0  }
0xc7: {  	[sflag:s0] =	ssyncadd.remote.s32 $0x1  }
0xc8: {  	_ =	sfence.sel $0xFFFF  }
0xc9: {  	[dreg:$0x0] =	wrdreg $0xFFFFFFFF;
	(pc) =	sbr.abs _section_cstart, $3  }
0xca: {  	[dreg:$0x1] =	wrdreg $0xFFFFFFFF  }
0xcb: {  	_ =	task.clear_ibuf [dreg:s10], $0x2FFFF;
	_ =	strace $0x9FFFFFFF  }
0xcc: {  	(tm) =	ssettm $0x7FFFFFFF  }
0xcd: {  	_ =	shalt  }
tec
execute0_lowered:
.L_overlay_start_1:
0x0: {  	(tag) =	ssettag $0x1  }
0x1: {  	s0 =	rddreg [dreg:$0x1]  }
0x2: {  	s5 =	rddreg [dreg:$0x2]  }
0x3: {  	s2 =	rddreg [dreg:$0x3]  }
0x4: {  	s3 =	rddreg [dreg:$0x4];
	s4 =	simm.s32 $0x0;
	s7 =	srdreg.scid  }
0x5: {  	s30 =	stileid.u32;
	s12 =	simm.s32 $0xA000;
	s13 =	simm.s32 $0x1  }
0x6: {  	s14 =	simm.s32 $0x80;
	s15 =	simm.s32 $0x400;
	s16 =	simm.s32 $0x4000  }
0x7: {  	s17 =	simm.s32 $0x6000;
	s18 =	simm.s32 $0x8000;
	s19 =	simm.s32 $0xA080  }
0x8: {  	s20 =	simm.s32 $0xA880;
	[smem:$0x7FF] =	sst s4;
	s7 =	sand.u32 $0x1, s7  }
0x9: {  	s6 =	sadd.s32 $0xE00, s5;
	s1 =	sadd.s32 $0x40E00, s5;
	s8 =	ssub.s32 $0x2, s7  }
0xa: {  	s10 =	sshll.u32 s30, $0x3;
	_ =	strace $0x80000047;
	s9 =	sshrl.u32 s8, $0x1  }
0xb: {  	[dreg:$0x6] =	wrdreg s1;
	s7 =	sshll.u32 s7, $0x2;
	s11 =	ssub.s32 s8, s9  }
0xc: {  	v2 =	vlaneseq.u32;
	s1 =	simm.s32 $0x0;
	s8 =	sor.u32 s7, s10;
	s31 =	smax.u32 s11, $0x1  }
0xd: {  	v0 =	vimm.s32 $0x60;
	v1 =	vimm.s32 $0x61;
	v2 =	vmul.u32 $0x8, v2;
	s9 =	sadd.s32 $0x30, s0;
	s10 =	sadd.s32 $0x20E00, s5;
	[dreg:$0x7] =	wrdreg s31  }
.LBB2_1:
0xe: {  	[dreg:$0x8] =	wrdreg s1  }
0xf: {  	s0 =	rddreg [dreg:$0x6]  }
0x10: {  	[tilespmem:s12], [sflag:$0x1] =	stream.linear.gather [hbm4b:s0+s4], $0x80, $0x38;
	[tilespmem:$0xB080] =	vst v63  }
0x11: {  	_ =	swait.ge [sflag:s13], $0x80  }
0x12: {  	[sflag:s13] =	ssyncset.done $0x0  }
0x13: {  	[sflag:s13] =	ssyncadd.s32 $0xFFFFFF80  }
0x14: {  	v3 =	vld.idx.msk [tilespmem:v0+s12+$0x0], $0xffff  }
0x15: {  	s22 =	simm.s32 $0x0;
	v4 =	vld.idx.msk [tilespmem:v1+s12+$0x0], $0xffff  }
.LBB2_2:
0x16: {  	s23 =	sadd.s32 s8, s22  }
0x17: {  	s1 =	rddreg [dreg:$0x0];
	s0 =	sshll.u32 s23, $0xB  }
0x18: {  	s5 =	simm.s32 $0x0;
	s0 =	sadd.s32 s1, s0  }
0x19: {  	[tilespmem:s5], [sflag:$0x1] =	stream.linear.gather [hbm4b:s0+s5], $0x4000, $0x38;
	[tilespmem:$0xB080] =	vst v63  }
0x1a: {  	_ =	swait.ge [sflag:s13], $0x4000  }
0x1b: {  	s11 =	sshll.u32 s23, $0xD;
	[sflag:s13] =	ssyncset.done $0x0  }
0x1c: {  	s0 =	sadd.s32 s11, s9;
	[sflag:s13] =	ssyncadd.s32 $0xFFFFC000  }
0x1d: {  	[tilespmem:s16], [sflag:$0x1] =	stream.strided.gather [hbm4b:s0+s14], $0x2000, s15, s14, $0x38;
	[tilespmem:$0xB080] =	vst v63  }
0x1e: {  	s21 =	sshll.u32 s23, $0xA;
	_ =	swait.ge [sflag:s13], $0x2000  }
0x1f: {  	s7 =	sand.u32 $0x70, s5;
	s11 =	simm.s32 $0x0;
	[sflag:s13] =	ssyncset.done $0x0  }
0x20: {  	s24 =	sadd.s32 s6, s21;
	s11 =	sor.u32 s7, s11;
	[sflag:s13] =	ssyncadd.s32 $0xFFFFE000  }
0x21: {  	v5 =	vmov s11;
	[tilespmem:s17], [sflag:$0x1] =	stream.linear.gather [hbm4b:s24+s5], $0x2000, $0x38;
	[tilespmem:$0xB080] =	vst v63  }
0x22: {  	v5 =	vshll.u32 v5, $0x3;
	_ =	swait.ge [sflag:s13], $0x2000  }
0x23: {  	v5 =	vor.u32 v2, v5;
	[sflag:s13] =	ssyncset.done $0x0  }
0x24: {  	s0 =	sadd.s32 s21, s10;
	v5 =	vor.u32 $0x1, v5;
	[sflag:s13] =	ssyncadd.s32 $0xFFFFE000  }
0x25: {  	[tilespmem:s18], [sflag:$0x1] =	stream.linear.gather [hbm4b:s0+s5], $0x2000, $0x38;
	[tilespmem:$0xB080] =	vst v63  }
0x26: {  	_ =	swait.ge [sflag:s13], $0x2000  }
0x27: {  	s25 =	simm.s32 $0x0;
	[sflag:s13] =	ssyncset.done $0x0  }
0x28: {  	s28 =	sand.u32 $0x3FFFFC00, s25;
	[sflag:s13] =	ssyncadd.s32 $0xFFFFE000  }
0x29: {  	s0 =	sor.u32 s7, s28;
	v6 =	vld.idx.msk [tilespmem:v5+s16+$0x0], $0xffff  }
0x2a: {  	v7 =	vld [tilespmem:s0+$0x200]  }
0x2b: {  	v8 =	vld [tilespmem:s0+$0x180]  }
0x2c: {  	v9 =	vld [tilespmem:s0+$0x80]  }
0x2d: {  	v10 =	vld [tilespmem:s0+$0x280]  }
0x2e: {  	v12 =	vld [tilespmem:s0+$0x0];
	vm0 =	vgt.s32 v6, $0x0  }
0x2f: {  	v13 =	vld [tilespmem:s0+$0x300];
	v11 =	vnsel vm0, $0x0, v6  }
0x30: {  	v14 =	vld [tilespmem:s0+$0x100];
	v11 =	vmin.u32 v11, $0x1F  }
0x31: {  	v15 =	vld [tilespmem:s0+$0x380]  }
0x32: {  	v16 =	vld.idx.msk [tilespmem:v5+s17+$0x0], $0xffff;
	v7 =	vmul.f32 v7, v7;
	v8 =	vmul.f32 v8, v8  }
0x33: {  	v10 =	vmul.f32 v10, v10;
	v18 =	vmul.f32 v12, v12  }
0x34: {  	vm1 =	vlt.f32 v9, $9.990000000e+02;
	vm0 =	vlt.u32 v6, $0x14;
	v6 =	vmul.f32 v9, v9  }
0x35: {  	v13 =	vmul.f32 v13, v13;
	vm2 =	vgt.f32 v9, $9.990000000e+02;
	v7 =	vadd.f32 v7, v8;
	v17 =	vld.idx.msk [tilespmem:v11+s12+$0x0], $0xffff  }
0x36: {  	v14 =	vmul.f32 v14, v14;
	v15 =	vmul.f32 v15, v15;
	v6 =	vadd.f32 v6, v18  }
0x37: {  	vm3 =	vne.s32 v16, $0x0;
	vm14 =	vlt.f32 v12, $9.990000000e+02;
	v10 =	vadd.f32 v10, v7  }
0x38: {  	vm15 =	vgt.f32 v12, $9.990000000e+02;
	v9 =	vor.u32 $0x20, v11;
	v6 =	vmul.f32 $5.000000000e-01, v6  }
0x39: {  	vm1 =	vmor vm2, vm1;
	v14 =	vmul.f32 $5.000000000e-01, v14;
	v13 =	vadd.f32 v13, v10  }
0x3a: {  	v11 =	vor.u32 $0x40, v11;
	v6 =	vsub.f32 $-1.837877040e+00, v6;
	vm4 =	veq.f32 v17, $1.000000000e+00  }
0x3b: {  	v15 =	vadd.f32 v15, v13;
	vm11 =	veq.f32 v17, $2.000000000e+00;
	v8 =	vnsel vm4, $0x0, v8  }
0x3c: {  	vm12 =	veq.f32 v17, $3.000000000e+00;
	v7 =	vsel vm11, v7, v8;
	v8 =	vsub.f32 $-9.189385170e-01, v14  }
0x3d: {  	v9 =	vld.idx.msk [tilespmem:v9+s12+$0x0], $0xffff;
	v6 =	vmul.f32 v6, v3;
	vm5 =	veq.f32 v17, $4.000000000e+00;
	v7 =	vsel vm12, v10, v7  }
0x3e: {  	vm13 =	veq.f32 v17, $5.000000000e+00;
	v8 =	vmul.f32 v8, v4;
	v7 =	vsel vm5, v13, v7  }
0x3f: {  	s29 =	simm.s32 $0x10;
	vm2 =	vmor vm15, vm14;
	v6 =	vmin.f32 v6, $5.000000000e+00;
	v10 =	vld.idx.msk [tilespmem:v11+s12+$0x0], $0xffff;
	v7 =	vsel vm13, v15, v7  }
0x40: {  	s26 =	simm.s32 $0x0;
	s30 =	sand.u32 $0x70, s29;
	vm0 =	vmand vm0, vm3;
	v6 =	vadd.f32 v6, v8;
	v7 =	vmul.f32 $5.000000000e-01, v7  }
0x41: {  	s0 =	sor.u32 s30, s26;
	vm0 =	vmand vm2, vm0  }
0x42: {  	v8 =	vmov s0;
	v6 =	vmul.f32 $-5.000000000e-01, v6;
	v7 =	vsub.f32 v9, v7  }
0x43: {  	vm0 =	vmand vm1, vm0;
	v8 =	vshll.u32 v8, $0x3  }
0x44: {  	s31 =	simm.s32 $0x2;
	v8 =	vor.u32 v2, v8;
	v9 =	vmax.f32 v6, $0.0e+00;
	v7 =	vmul.f32 v7, v10  }
0x45: {  	s25 =	simm.s32 $0x1;
	s11 =	simm.s32 $0x0;
	s24 =	smov.u32 s7;
	vm2 =	vgt.f32 v17, $0.0e+00;
	v6 =	vor.u32 $0x1, v8;
	v9 =	vmin.f32 v9, $5.000000000e+00  }
0x46: {  	s5 =	simm.s32 $0x0;
	s26 =	simm.s32 $0x0;
	s0 =	simm.s32 $0x1;
	v8 =	vmin.f32 v7, $5.000000000e+00;
	v7 =	vnsel vm0, $0x0, v9;
	vm0 =	vmand vm2, vm0  }
.LBB2_3:
0x47: {  	p0 =	sne.s32 s31, $0x3F;
	v8 =	vmul.f32 $-5.000000000e-01, v8;
	s21 =	smov.u32 s31;
	s31 =	sadd.s32 $0x1, s31  }
0x48: {  	_ = 	snop  }
0x49: {  	v8 =	vmax.f32 v8, $0.0e+00  }
0x4a: {  	s1 =	sor.u32 s24, s5;
	s24 =	smov.u32 s30;
	s5 =	smov.u32 s11;
	v8 =	vmin.f32 v8, $5.000000000e+00  }
0x4b: {  	[tilespmem:s1+$0xA080] =	vst v7;
	v7 =	vnsel vm0, $0x0, v8  }
0x4c: {  	[tilespmem:s1+$0xA880] =	vst v7  }
0x4d: {  	s1 =	sshll.u32 s0, $0x7;
	s0 =	smov.u32 s21;
	v7 =	vld.idx.msk [tilespmem:v6+s16+$0x0], $0xffff  }
0x4e: {  	s1 =	sand.u32 $0x3FFFFC00, s1  }
0x4f: {  	s1 =	sor.u32 s24, s1;
	v6 =	vld.idx.msk [tilespmem:v6+s17+$0x0], $0xffff  }
0x50: {  	v8 =	vld [tilespmem:s1+$0x200]  }
0x51: {  	v9 =	vld [tilespmem:s1+$0x180]  }
0x52: {  	v10 =	vld [tilespmem:s1+$0x80]  }
0x53: {  	vm0 =	vgt.s32 v7, $0x0;
	vm1 =	vlt.u32 v7, $0x14;
	v11 =	vld [tilespmem:s1+$0x280]  }
0x54: {  	v7 =	vnsel vm0, $0x0, v7;
	v12 =	vld [tilespmem:s1+$0x300]  }
0x55: {  	v7 =	vmin.u32 v7, $0x1F;
	v13 =	vld [tilespmem:s1+$0x0];
	v8 =	vmul.f32 v8, v8  }
0x56: {  	v9 =	vmul.f32 v9, v9  }
0x57: {  	vm0 =	vlt.f32 v10, $9.990000000e+02;
	vm2 =	vgt.f32 v10, $9.990000000e+02;
	v10 =	vmul.f32 v10, v10  }
0x58: {  	v15 =	vor.u32 $0x20, v7;
	v14 =	vld [tilespmem:s1+$0x100];
	v8 =	vadd.f32 v8, v9;
	v11 =	vmul.f32 v11, v11  }
0x59: {  	vm3 =	vne.s32 v6, $0x0;
	vm0 =	vmor vm2, vm0;
	v16 =	vld [tilespmem:s1+$0x380]  }
0x5a: {  	v12 =	vmul.f32 v12, v12;
	v6 =	vld.idx.msk [tilespmem:v7+s12+$0x0], $0xffff;
	v7 =	vor.u32 $0x40, v7;
	v11 =	vadd.f32 v11, v8  }
0x5b: {  	vm2 =	vlt.f32 v13, $9.990000000e+02;
	vm4 =	vgt.f32 v13, $9.990000000e+02;
	v13 =	vmul.f32 v13, v13  }
0x5c: {  	vm1 =	vmand vm1, vm3;
	vm2 =	vmor vm4, vm2;
	v12 =	vadd.f32 v12, v11  }
0x5d: {  	vm1 =	vmand vm2, vm1;
	v10 =	vadd.f32 v10, v13;
	v15 =	vld.idx.msk [tilespmem:v15+s12+$0x0], $0xffff;
	v13 =	vmul.f32 v14, v14  }
0x5e: {  	v14 =	vmul.f32 v16, v16  }
0x5f: {  	v10 =	vmul.f32 $5.000000000e-01, v10;
	v7 =	vld.idx.msk [tilespmem:v7+s12+$0x0], $0xffff;
	v13 =	vmul.f32 $5.000000000e-01, v13  }
0x60: {  	vm2 =	veq.f32 v6, $1.000000000e+00;
	vm3 =	veq.f32 v6, $2.000000000e+00;
	v14 =	vadd.f32 v14, v12  }
0x61: {  	v10 =	vsub.f32 $-1.837877040e+00, v10;
	v9 =	vnsel vm2, $0x0, v9;
	vm2 =	veq.f32 v6, $3.000000000e+00  }
0x62: {  	v13 =	vsub.f32 $-9.189385170e-01, v13;
	v8 =	vsel vm3, v8, v9;
	vm3 =	veq.f32 v6, $4.000000000e+00  }
0x63: {  	s29 =	sadd.s32 $0x10, s29;
	s1 =	sshrl.u32 s0, $0x3;
	v9 =	vmul.f32 v10, v3;
	v8 =	vsel vm2, v11, v8;
	vm2 =	veq.f32 v6, $5.000000000e+00  }
0x64: {  	s30 =	sand.u32 $0x70, s29;
	s21 =	sshll.u32 s1, $0x7;
	s11 =	sshll.u32 s1, $0x8;
	v10 =	vmul.f32 v13, v4;
	v8 =	vsel vm3, v12, v8;
	vm3 =	vgt.f32 v6, $0.0e+00  }
0x65: {  	s1 =	sor.u32 s30, s21;
	v6 =	vmin.f32 v9, $5.000000000e+00;
	v8 =	vsel vm2, v14, v8  }
0x66: {  	v9 =	vmov s1;
	v6 =	vadd.f32 v6, v10;
	v8 =	vmul.f32 $5.000000000e-01, v8  }
0x67: {  	v9 =	vshll.u32 v9, $0x3  }
.Ltmp0:
0x68: {  	v9 =	vor.u32 v2, v9;
	v10 =	vmul.f32 $-5.000000000e-01, v6;
	v8 =	vsub.f32 v15, v8;
	(pc) =	sbr.rel @p0 .LBB2_3-.Ltmp0, $4  }
0x69: {  	v6 =	vor.u32 $0x1, v9  }
0x6a: {  	v9 =	vmax.f32 v10, $0.0e+00;
	v7 =	vmul.f32 v8, v7  }
0x6b: {  	vm0 =	vmand vm0, vm1;
	v9 =	vmin.f32 v9, $5.000000000e+00  }
0x6c: {  	v8 =	vmin.f32 v7, $5.000000000e+00;
	v7 =	vnsel vm0, $0x0, v9;
	vm0 =	vmand vm3, vm0  }
0x6d: {  	v8 =	vmul.f32 $-5.000000000e-01, v8;
	_ =	sdelay $0x1  }
0x6e: {  	v8 =	vmax.f32 v8, $0.0e+00  }
0x6f: {  	s1 =	sor.u32 s24, s5;
	v8 =	vmin.f32 v8, $5.000000000e+00  }
0x70: {  	[tilespmem:s1+$0xA080] =	vst v7;
	v7 =	vnsel vm0, $0x0, v8  }
0x71: {  	[tilespmem:s1+$0xA880] =	vst v7  }
0x72: {  	v7 =	vld.idx.msk [tilespmem:v6+s16+$0x0], $0xffff  }
0x73: {  	s0 =	sshll.u32 s0, $0x7  }
0x74: {  	s0 =	sand.u32 $0x3FFFFC00, s0  }
0x75: {  	s0 =	sor.u32 s30, s0  }
0x76: {  	v8 =	vld [tilespmem:s0+$0x200]  }
0x77: {  	v9 =	vld [tilespmem:s0+$0x180];
	vm0 =	vgt.s32 v7, $0x0  }
0x78: {  	v11 =	vld [tilespmem:s0+$0x80];
	v10 =	vnsel vm0, $0x0, v7  }
0x79: {  	v12 =	vld [tilespmem:s0+$0x280];
	v10 =	vmin.u32 v10, $0x1F  }
0x7a: {  	v13 =	vld [tilespmem:s0+$0x0]  }
0x7b: {  	v14 =	vld [tilespmem:s0+$0x300]  }
0x7c: {  	v15 =	vld [tilespmem:s0+$0x100]  }
0x7d: {  	v17 =	vld [tilespmem:s0+$0x380]  }
0x7e: {  	v8 =	vmul.f32 v8, v8;
	v9 =	vmul.f32 v9, v9;
	v16 =	vld.idx.msk [tilespmem:v10+s12+$0x0], $0xffff;
	_ =	sdelay $0x1  }
0x7f: {  	v12 =	vmul.f32 v12, v12;
	v18 =	vmul.f32 v11, v11;
	v8 =	vadd.f32 v8, v9  }
0x80: {  	v19 =	vmul.f32 v13, v13;
	v14 =	vmul.f32 v14, v14;
	v20 =	vor.u32 $0x20, v10  }
0x81: {  	v15 =	vmul.f32 v15, v15;
	v17 =	vmul.f32 v17, v17;
	v12 =	vadd.f32 v12, v8  }
0x82: {  	v18 =	vadd.f32 v18, v19;
	v10 =	vor.u32 $0x40, v10;
	vm0 =	veq.f32 v16, $1.000000000e+00  }
0x83: {  	v14 =	vadd.f32 v14, v12;
	vm1 =	veq.f32 v16, $2.000000000e+00;
	v9 =	vnsel vm0, $0x0, v9  }
0x84: {  	v18 =	vmul.f32 $5.000000000e-01, v18;
	vm0 =	veq.f32 v16, $3.000000000e+00;
	v8 =	vsel vm1, v8, v9  }
0x85: {  	v17 =	vadd.f32 v17, v14;
	v9 =	vld.idx.msk [tilespmem:v20+s12+$0x0], $0xffff;
	vm1 =	veq.f32 v16, $4.000000000e+00;
	v8 =	vsel vm0, v12, v8  }
0x86: {  	v12 =	vmul.f32 $5.000000000e-01, v15;
	vm0 =	veq.f32 v16, $5.000000000e+00;
	v8 =	vsel vm1, v14, v8  }
0x87: {  	v10 =	vld.idx.msk [tilespmem:v10+s12+$0x0], $0xffff;
	v14 =	vsub.f32 $-1.837877040e+00, v18;
	v8 =	vsel vm0, v17, v8  }
0x88: {  	v6 =	vld.idx.msk [tilespmem:v6+s17+$0x0], $0xffff;
	v12 =	vsub.f32 $-9.189385170e-01, v12;
	v8 =	vmul.f32 $5.000000000e-01, v8  }
0x89: {  	v14 =	vmul.f32 v14, v3  }
0x8a: {  	v12 =	vmul.f32 v12, v4;
	v8 =	vsub.f32 v9, v8  }
0x8b: {  	vm2 =	vgt.f32 v11, $9.990000000e+02;
	vm0 =	vlt.u32 v7, $0x14;
	v7 =	vmin.f32 v14, $5.000000000e+00  }
0x8c: {  	vm1 =	vlt.f32 v11, $9.990000000e+02;
	v7 =	vadd.f32 v7, v12;
	v8 =	vmul.f32 v8, v10  }
0x8d: {  	vm3 =	vne.s32 v6, $0x0;
	vm4 =	vgt.f32 v13, $9.990000000e+02;
	vm1 =	vmor vm2, vm1  }
0x8e: {  	vm2 =	vlt.f32 v13, $9.990000000e+02;
	v6 =	vmul.f32 $-5.000000000e-01, v7;
	v7 =	vmin.f32 v8, $5.000000000e+00  }
0x8f: {  	vm0 =	vmand vm0, vm3;
	vm2 =	vmor vm4, vm2;
	v7 =	vmul.f32 $-5.000000000e-01, v7  }
0x90: {  	vm0 =	vmand vm2, vm0;
	vm2 =	vgt.f32 v16, $0.0e+00;
	v6 =	vmax.f32 v6, $0.0e+00  }
0x91: {  	vm0 =	vmand vm1, vm0;
	v6 =	vmin.f32 v6, $5.000000000e+00;
	v7 =	vmax.f32 v7, $0.0e+00  }
0x92: {  	s21 =	sor.u32 s30, s11;
	v6 =	vnsel vm0, $0x0, v6;
	vm0 =	vmand vm2, vm0;
	v7 =	vmin.f32 v7, $5.000000000e+00  }
0x93: {  	[tilespmem:s21+$0xA080] =	vst v6;
	v6 =	vnsel vm0, $0x0, v7  }
0x94: {  	[tilespmem:s21+$0xA880] =	vst v6  }
0x95: {  	s24 =	sor.u32 s7, s28;
	v6 =	vld.idx.msk [tilespmem:v5+s16+$0x0], $0xffff  }
0x96: {  	v8 =	vld [tilespmem:s24+$0x2200]  }
0x97: {  	v9 =	vld [tilespmem:s24+$0x2180]  }
0x98: {  	v14 =	vld [tilespmem:s24+$0x2080]  }
0x99: {  	v7 =	vld [tilespmem:s24+$0x2000]  }
0x9a: {  	v11 =	vld [tilespmem:s24+$0x2280]  }
0x9b: {  	v5 =	vand.u32 $0x7FFFFFF9, v5;
	v16 =	vld [tilespmem:s24+$0x2300];
	vm0 =	vgt.s32 v6, $0x0  }
0x9c: {  	v10 =	vadd.s32 $0x2000, v5;
	v13 =	vnsel vm0, $0x0, v6  }
0x9d: {  	s30 =	simm.s32 $0x10;
	v12 =	vmul.f32 v9, v9;
	v8 =	vmul.f32 v8, v8;
	v9 =	vld [tilespmem:s24+$0x2380];
	v5 =	vmin.u32 v13, $0x1F  }
0x9e: {  	s31 =	simm.s32 $0x0;
	s28 =	sand.u32 $0x70, s30;
	v18 =	vmul.f32 v7, v7  }
0x9f: {  	s1 =	sor.u32 s28, s31;
	v19 =	vmul.f32 v14, v14;
	v13 =	vadd.f32 v8, v12;
	v8 =	vmul.f32 v11, v11  }
0xa0: {  	v16 =	vmul.f32 v16, v16;
	v11 =	vmov s1;
	v17 =	vor.u32 $0x20, v5  }
0xa1: {  	v19 =	vadd.f32 v19, v18;
	v18 =	vld [tilespmem:s24+$0x2100];
	v20 =	vshll.u32 v11, $0x3;
	v15 =	vadd.f32 v8, v13  }
0xa2: {  	v8 =	vor.u32 v2, v20;
	v20 =	vmul.f32 v9, v9;
	v9 =	vld.idx.msk [tilespmem:v5+s12+$0x0], $0xffff  }
0xa3: {  	vm1 =	vgt.f32 v14, $9.990000000e+02;
	vm0 =	vlt.f32 v14, $9.990000000e+02;
	v16 =	vadd.f32 v16, v15  }
0xa4: {  	vm0 =	vmor vm1, vm0;
	v11 =	vor.u32 $0x40, v5;
	v8 =	vor.u32 $0x1, v8  }
0xa5: {  	s29 =	simm.s32 $0x0;
	s0 =	simm.s32 $0x2;
	v19 =	vmul.f32 $5.000000000e-01, v19;
	v5 =	vand.u32 $0x7FFFFFF9, v8;
	v14 =	vld.idx.msk [tilespmem:v17+s12+$0x0], $0xffff;
	v17 =	vadd.f32 v20, v16  }
.LBB2_5:
0xa6: {  	p0 =	sne.s32 s0, $0x3F;
	vm1 =	vlt.f32 v7, $9.990000000e+02;
	v18 =	vmul.f32 v18, v18;
	s5 =	smov.u32 s0;
	s0 =	sadd.s32 $0x1, s0  }
0xa7: {  	vm2 =	veq.f32 v9, $1.000000000e+00;
	vm3 =	veq.f32 v9, $2.000000000e+00;
	vm4 =	veq.f32 v9, $5.000000000e+00  }
0xa8: {  	v19 =	vsub.f32 $-1.837877040e+00, v19;
	v12 =	vnsel vm2, $0x0, v12;
	v10 =	vld.idx.msk [tilespmem:v10+s17+$0x0], $0xffff;
	v18 =	vmul.f32 $5.000000000e-01, v18  }
0xa9: {  	vm2 =	veq.f32 v9, $3.000000000e+00;
	v12 =	vsel vm3, v13, v12;
	vm3 =	veq.f32 v9, $4.000000000e+00  }
0xaa: {  	v13 =	vmul.f32 v19, v3;
	v12 =	vsel vm2, v15, v12;
	v11 =	vld.idx.msk [tilespmem:v11+s12+$0x0], $0xffff;
	v18 =	vsub.f32 $-9.189385170e-01, v18  }
0xab: {  	v12 =	vsel vm3, v16, v12  }
0xac: {  	v13 =	vmin.f32 v13, $5.000000000e+00;
	v12 =	vsel vm4, v17, v12;
	v15 =	vmul.f32 v18, v4  }
0xad: {  	vm2 =	vlt.u32 v6, $0x14;
	v6 =	vmul.f32 $5.000000000e-01, v12  }
0xae: {  	vm4 =	vgt.f32 v7, $9.990000000e+02;
	vm3 =	vne.s32 v10, $0x0;
	v7 =	vadd.f32 v13, v15  }
0xaf: {  	vm1 =	vmor vm4, vm1;
	vm2 =	vmand vm2, vm3;
	v6 =	vsub.f32 v14, v6  }
0xb0: {  	vm1 =	vmand vm1, vm2;
	v7 =	vmul.f32 $-5.000000000e-01, v7  }
0xb1: {  	vm0 =	vmand vm0, vm1;
	v6 =	vmul.f32 v6, v11;
	vm1 =	vgt.f32 v9, $0.0e+00  }
0xb2: {  	vm1 =	vmand vm1, vm0;
	v7 =	vmax.f32 v7, $0.0e+00  }
0xb3: {  	v6 =	vmin.f32 v6, $5.000000000e+00;
	v7 =	vmin.f32 v7, $5.000000000e+00  }
0xb4: {  	s1 =	sor.u32 s7, s26;
	s7 =	smov.u32 s28;
	s26 =	smov.u32 s29;
	v6 =	vmul.f32 $-5.000000000e-01, v6;
	v7 =	vnsel vm0, $0x0, v7  }
0xb5: {  	[tilespmem:s1+$0xA100] =	vst v7  }
0xb6: {  	v6 =	vmax.f32 v6, $0.0e+00  }
0xb7: {  	v6 =	vmin.f32 v6, $5.000000000e+00  }
0xb8: {  	v6 =	vnsel vm1, $0x0, v6  }
0xb9: {  	s11 =	sshll.u32 s25, $0x7;
	s25 =	smov.u32 s5;
	[tilespmem:s1+$0xA900] =	vst v6  }
0xba: {  	s1 =	sand.u32 $0x3FFFFC00, s11;
	v6 =	vld.idx.msk [tilespmem:v8+s16+$0x0], $0xffff  }
0xbb: {  	s1 =	sor.u32 s7, s1  }
0xbc: {  	v14 =	vld [tilespmem:s1+$0x2380]  }
0xbd: {  	v8 =	vld [tilespmem:s1+$0x2200]  }
0xbe: {  	v9 =	vld [tilespmem:s1+$0x2180]  }
0xbf: {  	v15 =	vld [tilespmem:s1+$0x2080]  }
0xc0: {  	vm0 =	vgt.s32 v6, $0x0;
	v16 =	vld [tilespmem:s1+$0x2280]  }
0xc1: {  	v11 =	vnsel vm0, $0x0, v6;
	v7 =	vld [tilespmem:s1+$0x2000]  }
0xc2: {  	s30 =	sadd.s32 $0x10, s30;
	s5 =	sshrl.u32 s25, $0x3;
	v10 =	vadd.s32 $0x2000, v5;
	v5 =	vmin.u32 v11, $0x1F;
	v17 =	vld [tilespmem:s1+$0x2300]  }
0xc3: {  	s28 =	sand.u32 $0x70, s30;
	s29 =	sshll.u32 s5, $0x8;
	s11 =	sshll.u32 s5, $0x7;
	v11 =	vor.u32 $0x40, v5;
	v8 =	vmul.f32 v8, v8;
	v12 =	vmul.f32 v9, v9  }
0xc4: {  	s5 =	sor.u32 s28, s11;
	v19 =	vor.u32 $0x20, v5;
	vm0 =	vlt.f32 v15, $9.990000000e+02;
	vm1 =	vgt.f32 v15, $9.990000000e+02  }
0xc5: {  	v9 =	vmov s5;
	v13 =	vadd.f32 v8, v12;
	v8 =	vmul.f32 v16, v16  }
0xc6: {  	v9 =	vshll.u32 v9, $0x3;
	v20 =	vmul.f32 v15, v15;
	v18 =	vld [tilespmem:s1+$0x2100];
	v16 =	vmul.f32 v7, v7  }
.Ltmp1:
0xc7: {  	v21 =	vor.u32 v2, v9;
	v9 =	vld.idx.msk [tilespmem:v5+s12+$0x0], $0xffff;
	v15 =	vadd.f32 v8, v13;
	v17 =	vmul.f32 v17, v17;
	(pc) =	sbr.rel @p0 .LBB2_5-.Ltmp1, $4  }
0xc8: {  	v8 =	vor.u32 $0x1, v21;
	v21 =	vmul.f32 v14, v14;
	v20 =	vadd.f32 v20, v16  }
0xc9: {  	vm0 =	vmor vm1, vm0;
	v5 =	vand.u32 $0x7FFFFFF9, v8;
	v16 =	vadd.f32 v17, v15  }
0xca: {  	v14 =	vld.idx.msk [tilespmem:v19+s12+$0x0], $0xffff;
	v19 =	vmul.f32 $5.000000000e-01, v20  }
0xcb: {  	v17 =	vadd.f32 v21, v16  }
0xcc: {  	vm1 =	veq.f32 v9, $1.000000000e+00  }
0xcd: {  	vm2 =	veq.f32 v9, $2.000000000e+00;
	v12 =	vnsel vm1, $0x0, v12  }
0xce: {  	v18 =	vmul.f32 v18, v18;
	vm7 =	veq.f32 v9, $3.000000000e+00;
	v12 =	vsel vm2, v13, v12  }
0xcf: {  	vm8 =	veq.f32 v9, $4.000000000e+00;
	v12 =	vsel vm7, v15, v12  }
0xd0: {  	vm9 =	veq.f32 v9, $5.000000000e+00;
	v44 =	vmul.f32 $5.000000000e-01, v18;
	v12 =	vsel vm8, v16, v12  }
0xd1: {  	v45 =	vsub.f32 $-1.837877040e+00, v19;
	v11 =	vld.idx.msk [tilespmem:v11+s12+$0x0], $0xffff;
	v12 =	vsel vm9, v17, v12  }
0xd2: {  	v13 =	vsub.f32 $-9.189385170e-01, v44;
	v12 =	vmul.f32 $5.000000000e-01, v12  }
0xd3: {  	v10 =	vld.idx.msk [tilespmem:v10+s17+$0x0], $0xffff;
	v15 =	vmul.f32 v45, v3  }
0xd4: {  	v13 =	vmul.f32 v13, v4;
	v12 =	vsub.f32 v14, v12  }
0xd5: {  	v46 =	vmin.f32 v15, $5.000000000e+00  }
0xd6: {  	vm10 =	vlt.u32 v6, $0x14;
	v6 =	vadd.f32 v46, v13;
	v47 =	vmul.f32 v12, v11  }
0xd7: {  	vm3 =	vlt.f32 v7, $9.990000000e+02;
	vm4 =	vgt.f32 v7, $9.990000000e+02  }
0xd8: {  	vm11 =	vne.s32 v10, $0x0;
	v6 =	vmul.f32 $-5.000000000e-01, v6;
	v7 =	vmin.f32 v47, $5.000000000e+00  }
0xd9: {  	vm12 =	vmor vm4, vm3;
	vm1 =	vmand vm10, vm11;
	v7 =	vmul.f32 $-5.000000000e-01, v7  }
0xda: {  	vm13 =	vgt.f32 v9, $0.0e+00;
	vm1 =	vmand vm12, vm1;
	v6 =	vmax.f32 v6, $0.0e+00  }
0xdb: {  	vm0 =	vmand vm0, vm1;
	v6 =	vmin.f32 v6, $5.000000000e+00;
	v7 =	vmax.f32 v7, $0.0e+00  }
0xdc: {  	s0 =	sor.u32 s7, s26;
	vm1 =	vmand vm13, vm0;
	v6 =	vnsel vm0, $0x0, v6;
	v7 =	vmin.f32 v7, $5.000000000e+00  }
0xdd: {  	[tilespmem:s0+$0xA100] =	vst v6;
	v6 =	vnsel vm1, $0x0, v7  }
0xde: {  	[tilespmem:s0+$0xA900] =	vst v6  }
0xdf: {  	v6 =	vld.idx.msk [tilespmem:v8+s16+$0x0], $0xffff  }
0xe0: {  	s26 =	sshll.u32 s25, $0x7  }
0xe1: {  	s0 =	sand.u32 $0x3FFFFC00, s26  }
0xe2: {  	s0 =	sor.u32 s28, s0  }
0xe3: {  	v7 =	vld [tilespmem:s0+$0x2200]  }
0xe4: {  	v48 =	vld [tilespmem:s0+$0x2180];
	vm14 =	vgt.s32 v6, $0x0  }
0xe5: {  	v50 =	vld [tilespmem:s0+$0x2080];
	v49 =	vnsel vm14, $0x0, v6  }
0xe6: {  	v51 =	vld [tilespmem:s0+$0x2280];
	v9 =	vmin.u32 v49, $0x1F  }
0xe7: {  	v52 =	vld [tilespmem:s0+$0x2000]  }
0xe8: {  	v53 =	vld [tilespmem:s0+$0x2300]  }
0xe9: {  	v54 =	vld [tilespmem:s0+$0x2380]  }
0xea: {  	v56 =	vld [tilespmem:s0+$0x2100]  }
0xeb: {  	v8 =	vmul.f32 v48, v48;
	v7 =	vmul.f32 v7, v7;
	v55 =	vld.idx.msk [tilespmem:v9+s12+$0x0], $0xffff  }
0xec: {  	v5 =	vadd.s32 $0x2000, v5  }
0xed: {  	v11 =	vmul.f32 v51, v51;
	v57 =	vmul.f32 v52, v52;
	v7 =	vadd.f32 v7, v8  }
0xee: {  	v58 =	vmul.f32 v50, v50;
	v13 =	vmul.f32 v53, v53;
	v59 =	vor.u32 $0x20, v9  }
0xef: {  	v14 =	vmul.f32 v54, v54;
	v16 =	vmul.f32 v56, v56;
	v11 =	vadd.f32 v11, v7  }
0xf0: {  	v17 =	vadd.f32 v58, v57;
	v9 =	vor.u32 $0x40, v9;
	vm15 =	veq.f32 v55, $1.000000000e+00  }
0xf1: {  	v13 =	vadd.f32 v13, v11;
	vm4 =	veq.f32 v55, $2.000000000e+00;
	v8 =	vnsel vm15, $0x0, v8  }
0xf2: {  	v17 =	vmul.f32 $5.000000000e-01, v17;
	vm5 =	veq.f32 v55, $3.000000000e+00;
	v7 =	vsel vm4, v7, v8  }
0xf3: {  	v60 =	vld.idx.msk [tilespmem:v59+s12+$0x0], $0xffff;
	v14 =	vadd.f32 v14, v13;
	vm6 =	veq.f32 v55, $4.000000000e+00;
	v7 =	vsel vm5, v11, v7  }
0xf4: {  	v5 =	vld.idx.msk [tilespmem:v5+s17+$0x0], $0xffff;
	v61 =	vmul.f32 $5.000000000e-01, v16;
	vm7 =	veq.f32 v55, $5.000000000e+00;
	v7 =	vsel vm6, v13, v7  }
0xf5: {  	v62 =	vsub.f32 $-1.837877040e+00, v17;
	v9 =	vld.idx.msk [tilespmem:v9+s12+$0x0], $0xffff;
	v7 =	vsel vm7, v14, v7  }
0xf6: {  	v11 =	vsub.f32 $-9.189385170e-01, v61;
	v7 =	vmul.f32 $5.000000000e-01, v7  }
0xf7: {  	v13 =	vmul.f32 v62, v3  }
0xf8: {  	vm10 =	vlt.u32 v6, $0x14;
	v11 =	vmul.f32 v11, v4;
	v7 =	vsub.f32 v60, v7  }
0xf9: {  	vm11 =	vne.s32 v5, $0x0;
	vm8 =	vlt.f32 v50, $9.990000000e+02;
	v63 =	vmin.f32 v13, $5.000000000e+00  }
0xfa: {  	vm9 =	vgt.f32 v50, $9.990000000e+02;
	v5 =	vadd.f32 v63, v11;
	v6 =	vmul.f32 v7, v9  }
0xfb: {  	vm12 =	vlt.f32 v52, $9.990000000e+02;
	vm2 =	vmand vm10, vm11;
	vm13 =	vgt.f32 v52, $9.990000000e+02  }
0xfc: {  	vm3 =	vmor vm13, vm12;
	v5 =	vmul.f32 $-5.000000000e-01, v5;
	v6 =	vmin.f32 v6, $5.000000000e+00  }
0xfd: {  	vm0 =	vmor vm9, vm8;
	vm14 =	vmand vm3, vm2;
	v6 =	vmul.f32 $-5.000000000e-01, v6  }
0xfe: {  	vm0 =	vmand vm0, vm14;
	v5 =	vmax.f32 v5, $0.0e+00  }
0xff: {  	vm15 =	vgt.f32 v55, $0.0e+00;
	v5 =	vmin.f32 v5, $5.000000000e+00;
	v6 =	vmax.f32 v6, $0.0e+00  }
0x100: {  	s29 =	sor.u32 s28, s29;
	vm1 =	vmand vm15, vm0;
	v5 =	vnsel vm0, $0x0, v5;
	v6 =	vmin.f32 v6, $5.000000000e+00  }
0x101: {  	s1 =	sshll.u32 s23, $0x8;
	[tilespmem:s29+$0xA100] =	vst v5;
	v5 =	vnsel vm1, $0x0, v6  }
0x102: {  	s30 =	sadd.s32 s2, s1;
	[tilespmem:s29+$0xA900] =	vst v5  }
0x103: {  	[hbm4b:s30+s4] =	stream.linear.scatter [tilespmem:s19], [sflag:$0x1], $0x800, $0x38;
	[tilespmem:$0xB080] =	vst v63  }
0x104: {  	s22 =	sadd.s32 $0x1, s22;
	_ =	swait.ge [sflag:s13], $0x800  }
0x105: {  	p0 =	sne.s32 s22, $0x4;
	[sflag:s13] =	ssyncset.done $0x0  }
.Ltmp2:
0x106: {  	s31 =	sadd.s32 s3, s1;
	[sflag:s13] =	ssyncadd.s32 $0xFFFFF800;
	(pc) =	sbr.rel @p0 .LBB2_2-.Ltmp2, $4  }
0x107: {  	[hbm4b:s31+s4] =	stream.linear.scatter [tilespmem:s20], [sflag:$0x1], $0x800, $0x38;
	[tilespmem:$0xB080] =	vst v63  }
0x108: {  	_ =	swait.ge [sflag:s13], $0x800  }
0x109: {  	[sflag:s13] =	ssyncset.done $0x0  }
0x10a: {  	[sflag:s13] =	ssyncadd.s32 $0xFFFFF800  }
0x10b: {  	s1 =	rddreg [dreg:$0x8]  }
0x10c: {  	s0 =	rddreg [dreg:$0x7];
	s1 =	sadd.s32 $0x1, s1  }
0x10d: {  	p0 =	sne.s32 s1, s0  }
.Ltmp3:
0x10e: {  	_ = 	snop;
	(pc) =	sbr.rel @p0 .LBB2_1-.Ltmp3, $1  }
0x10f: {  	_ =	sdelay $0x3  }
0x110: {  	_ =	sfence.sel $0x180000  }
0x111: {  	[bflag:$0x0] =	sbarrier.arrive $0xFFFF  }
0x112: {  	_ =	strace $0x90000047  }
0x113: {  	s0 =	stileid.u32;
	[bflag:$0x2] =	sbarrier.arrive $0xFFFF  }
0x114: {  	p0 =	sne.s32 s0, $0x0;
	s0 =	rddreg [dreg:$0x5]  }
0x115: {  	s0 =	sadd.s32 @!p0 $0x100000, s0  }
0x116: {  	[sflag:s0] =	ssyncadd.tile.s32 @!p0 $0x1;
	_ =	shalt  }
.Lfunc_end2:
_tile_overlayer_lowered:
.L_overlay_start_2:
0x117: {  	(tag) =	ssettag $0x2  }
0x118: {  	s0 =	rddreg [dreg:$0x0];
	s2 =	stileid.u32  }
0x119: {  	s1 =	rddreg [dreg:$0x1];
	p0 =	sne.s32 s2, $0x0  }
0x11a: {  	s3 =	rddreg [dreg:$0x2];
	[bflag:$0x3] =	sbarrier.arrive $0xFFFF;
	s2 =	simm.s32 @!p0 $0x1C01  }
0x11b: {  	[timem:s3], [sflag:s2] =	dma.local @!p0 [hbm:s0], s1  }
0x11c: {  	s0 =	simm.s32 @!p0 $0x1  }
0x11d: {  	_ =	swait.ge @!p0 [sflag:s0], s1  }
0x11e: {  	s1 =	ssub.s32 @!p0 $0x0, s1;
	[sflag:s0] =	ssyncset.done @!p0 $0x0  }
0x11f: {  	[sflag:s0] =	ssyncadd.s32 @!p0 s1  }
0x120: {  	[bflag:$0x3] =	sbarrier.arrive $0xFFFF  }
0x121: {  	_ =	shalt  }

</sc_bundles>
